<compile_context>
chip_gen: v7x
topology: tpu7x:2x2x1
jax: 0.10.2.dev20260603
libtpu: 0.0.44.dev20260713+nightly
codegen_flags: <defaults>
</compile_context>

<pallas_src>
import functools

import jax
import jax.numpy as jnp
from jax import lax
from jax.experimental import pallas as pl
from jax.experimental.pallas import tpu as pltpu
from jax.experimental.pallas import tpu_sc as plsc

HB = 1024
EE = 64
KK = 2
NGG = 8
TGG = 4
DF = 512
WSCALE = 2.5
MT = 128
NT = 96
NPAD = NT * MT
NTOK = 2048
NPAIR = NTOK * KK


def _gate_route_body(x_ref, gw_ref, gb_ref, w_out, dest_out, te_out):
    x = x_ref[...]
    gw = gw_ref[...]
    gb = gb_ref[...]
    logits = lax.dot_general(x, gw, (((1,), (1,)), ((), ())),
                             preferred_element_type=jnp.float32)
    scores = jax.nn.sigmoid(logits)
    sfc = scores + gb
    n = x.shape[0]
    neg = jnp.float32(-jnp.inf)
    iota8 = lax.broadcasted_iota(jnp.int32, (n, NGG), 1)

    gparts = []
    for g in range(NGG):
        sub = sfc[:, g * 8:(g + 1) * 8]
        m1 = jnp.max(sub, axis=-1, keepdims=True)
        j1 = jnp.min(jnp.where(sub == m1, iota8, NGG), axis=-1, keepdims=True)
        m2 = jnp.max(jnp.where(iota8 == j1, neg, sub), axis=-1, keepdims=True)
        gparts.append(m1 + m2)
    gs = jnp.concatenate(gparts, axis=1)

    gmask = jnp.zeros((n, NGG), jnp.float32)
    cur = gs
    for _ in range(TGG):
        m = jnp.max(cur, axis=-1, keepdims=True)
        j = jnp.min(jnp.where(cur == m, iota8, NGG), axis=-1, keepdims=True)
        hit = iota8 == j
        gmask = gmask + hit.astype(jnp.float32)
        cur = jnp.where(hit, neg, cur)

    er = lax.broadcasted_iota(jnp.int32, (NGG, EE), 0)
    ec = lax.broadcasted_iota(jnp.int32, (NGG, EE), 1)
    expand = (er == ec // NGG).astype(jnp.float32)
    smask = lax.dot_general(gmask, expand, (((1,), (0,)), ((), ())),
                            preferred_element_type=jnp.float32)

    iota64 = lax.broadcasted_iota(jnp.int32, (n, EE), 1)
    tmp = jnp.where(smask > 0, sfc, neg)
    ohs, ws = [], []
    for _ in range(KK):
        m = jnp.max(tmp, axis=-1, keepdims=True)
        j = jnp.min(jnp.where(tmp == m, iota64, EE), axis=-1, keepdims=True)
        oh = (iota64 == j).astype(jnp.float32)
        ohs.append(oh)
        ws.append(jnp.sum(oh * scores, axis=-1, keepdims=True))
        tmp = jnp.where(oh > 0, neg, tmp)
    w0, w1 = ws
    denom = w0 + w1 + 1e-20
    w_out[...] = jnp.concatenate(
        [w0 / denom * WSCALE, w1 / denom * WSCALE], axis=1)

    oh_all = ohs[0] + ohs[1]
    counts = jnp.sum(oh_all, axis=0, keepdims=True)
    ptiles = jnp.floor((counts + (MT - 1)) * (1.0 / MT))
    ur = lax.broadcasted_iota(jnp.int32, (EE, EE), 0)
    uc = lax.broadcasted_iota(jnp.int32, (EE, EE), 1)
    strict_u = (ur < uc).astype(jnp.float32)
    tstart = lax.dot_general(ptiles, strict_u, (((1,), (0,)), ((), ())),
                             preferred_element_type=jnp.float32)
    tstart_i = tstart.astype(jnp.int32)
    trow = lax.broadcasted_iota(jnp.int32, (NT + 1, EE), 0)
    te = jnp.sum((jnp.broadcast_to(tstart_i, (NT + 1, EE)) <= trow)
                 .astype(jnp.int32), axis=-1, keepdims=True) - 1
    used = jnp.sum(ptiles, axis=-1, keepdims=True).astype(jnp.int32)
    te_out[...] = jnp.concatenate([te[:NT], used], axis=0)

    blk = 256
    br = lax.broadcasted_iota(jnp.int32, (blk, blk), 0)
    bc = lax.broadcasted_iota(jnp.int32, (blk, blk), 1)
    lstrict = (bc < br).astype(jnp.float32)
    tot = jnp.zeros((1, EE), jnp.float32)
    cparts = []
    for b in range(n // blk):
        ohb = oh_all[b * blk:(b + 1) * blk, :]
        cb = lax.dot_general(lstrict, ohb, (((1,), (0,)), ((), ())),
                             preferred_element_type=jnp.float32) + tot
        cparts.append(cb)
        tot = tot + jnp.sum(ohb, axis=0, keepdims=True)
    cexc = jnp.concatenate(cparts, axis=0)

    rowbase = tstart * MT + cexc
    d0 = jnp.sum(ohs[0] * rowbase, axis=-1, keepdims=True)
    d1 = jnp.sum(ohs[1] * rowbase, axis=-1, keepdims=True)
    dest_out[...] = jnp.concatenate([d0, d1], axis=1).astype(jnp.int32)


def _moe_body(te_ref, xs_ref, wg_ref, wu_ref, wd_ref, out_ref):
    @pl.when(pl.program_id(0) < te_ref[NT])
    def _():
        xb = xs_ref[...].astype(jnp.bfloat16)
        wg = wg_ref[0].astype(jnp.bfloat16)
        wu = wu_ref[0].astype(jnp.bfloat16)
        wd = wd_ref[0].astype(jnp.bfloat16)
        a = lax.dot_general(xb, wg, (((1,), (1,)), ((), ())),
                            preferred_element_type=jnp.float32)
        u = lax.dot_general(xb, wu, (((1,), (1,)), ((), ())),
                            preferred_element_type=jnp.float32)
        h = (a * jax.nn.sigmoid(a) * u).astype(jnp.bfloat16)
        out_ref[...] = lax.dot_general(h, wd, (((1,), (1,)), ((), ())),
                                       preferred_element_type=jnp.float32)


def _shared_body(x_ref, sg_ref, su_ref, sd_ref, out_ref):
    xb = x_ref[...].astype(jnp.bfloat16)
    a = lax.dot_general(xb, sg_ref[...].astype(jnp.bfloat16),
                        (((1,), (1,)), ((), ())),
                        preferred_element_type=jnp.float32)
    u = lax.dot_general(xb, su_ref[...].astype(jnp.bfloat16),
                        (((1,), (1,)), ((), ())),
                        preferred_element_type=jnp.float32)
    h = (a * jax.nn.sigmoid(a) * u).astype(jnp.bfloat16)
    out_ref[...] = lax.dot_general(h, sd_ref[...].astype(jnp.bfloat16),
                                   (((1,), (1,)), ((), ())),
                                   preferred_element_type=jnp.float32)


def _combine_body(sh_ref, gp_ref, w_ref, out_ref):
    gp = gp_ref[...]
    ge = gp[:, :HB]
    go = gp[:, HB:]
    w = w_ref[...]
    out_ref[...] = sh_ref[...] + w[:, 0:1] * ge + w[:, 1:2] * go


def _sc_dims():
    try:
        info = plsc.get_sparse_core_info()
        return info.num_cores, info.num_subcores
    except Exception:
        return 2, 16


def _make_dispatch(nc, ns):
    nw = nc * ns
    bpw = NPAIR // nw
    ch = 64
    mesh = plsc.VectorSubcoreMesh(core_axis_name="c", subcore_axis_name="s")

    @functools.partial(
        pl.kernel, mesh=mesh,
        out_type=jax.ShapeDtypeStruct((NPAD, HB), jnp.float32),
        scratch_types=[
            pltpu.VMEM((ch,), jnp.int32),
            pltpu.VMEM((ch,), jnp.int32),
            pltpu.VMEM((ch, HB), jnp.float32),
            pltpu.SemaphoreType.DMA,
        ],
    )
    def dispatch(x_hbm, dest_hbm, xs_hbm, src_v, dst_v, rows_v, sem):
        wid = lax.axis_index("s") * nc + lax.axis_index("c")
        base = wid * bpw

        def chunk(c, carry):
            off = base + c * ch
            for v in range(ch // 16):
                io = lax.iota(jnp.int32, 16)
                src_v[pl.ds(v * 16, 16)] = lax.shift_right_logical(
                    off + v * 16 + io, 1)
            pltpu.sync_copy(dest_hbm.at[pl.ds(off, ch)], dst_v)
            pltpu.async_copy(x_hbm.at[src_v], rows_v, sem).wait()
            pltpu.async_copy(rows_v, xs_hbm.at[dst_v], sem).wait()
            return carry

        lax.fori_loop(0, bpw // ch, chunk, 0)

    return dispatch


def _make_gather(nc, ns):
    nw = nc * ns
    bpw = NPAIR // nw
    ch = 32
    mesh = plsc.VectorSubcoreMesh(core_axis_name="c", subcore_axis_name="s")

    @functools.partial(
        pl.kernel, mesh=mesh,
        out_type=jax.ShapeDtypeStruct((NPAIR, HB), jnp.float32),
        scratch_types=[
            pltpu.VMEM((ch,), jnp.int32),
            pltpu.VMEM((ch, HB), jnp.float32),
            pltpu.SemaphoreType.DMA,
        ],
    )
    def gather(ys_hbm, dest_hbm, gp_hbm, idx_v, rows_v, sem):
        wid = lax.axis_index("s") * nc + lax.axis_index("c")
        base = wid * bpw

        def chunk(c, carry):
            off = base + c * ch
            pltpu.sync_copy(dest_hbm.at[pl.ds(off, ch)], idx_v)
            pltpu.async_copy(ys_hbm.at[idx_v], rows_v, sem).wait()
            pltpu.sync_copy(rows_v, gp_hbm.at[pl.ds(off, ch)])
            return carry

        lax.fori_loop(0, bpw // ch, chunk, 0)

    return gather


def kernel(hidden_states, gate_w, gate_b, Wg, Wu, Wd, Sg, Su, Sd):
    bsz, seq, hid = hidden_states.shape
    x = hidden_states.reshape(-1, hid)

    topk_w, dest, te = pl.pallas_call(
        _gate_route_body,
        out_shape=(
            jax.ShapeDtypeStruct((NTOK, KK), jnp.float32),
            jax.ShapeDtypeStruct((NTOK, KK), jnp.int32),
            jax.ShapeDtypeStruct((NT + 1, 1), jnp.int32),
        ),
    )(x, gate_w, gate_b.reshape(1, EE))
    dest_flat = dest.reshape(-1)
    te_flat = te.reshape(-1)

    nc, ns = _sc_dims()
    cb = 256

    sh = pl.pallas_call(
        _shared_body,
        grid=(NTOK // cb,),
        in_specs=[
            pl.BlockSpec((cb, HB), lambda i: (i, 0)),
            pl.BlockSpec((DF, HB), lambda i: (0, 0)),
            pl.BlockSpec((DF, HB), lambda i: (0, 0)),
            pl.BlockSpec((HB, DF), lambda i: (0, 0)),
        ],
        out_specs=pl.BlockSpec((cb, HB), lambda i: (i, 0)),
        out_shape=jax.ShapeDtypeStruct((NTOK, HB), jnp.float32),
    )(x, Sg, Su, Sd)

    xs = _make_dispatch(nc, ns)(x, dest_flat)

    grid_spec = pltpu.PrefetchScalarGridSpec(
        num_scalar_prefetch=1,
        grid=(NT,),
        in_specs=[
            pl.BlockSpec((MT, HB),
                         lambda i, te_r: (jnp.minimum(i, te_r[NT] - 1), 0)),
            pl.BlockSpec((1, DF, HB), lambda i, te_r: (te_r[i], 0, 0)),
            pl.BlockSpec((1, DF, HB), lambda i, te_r: (te_r[i], 0, 0)),
            pl.BlockSpec((1, HB, DF), lambda i, te_r: (te_r[i], 0, 0)),
        ],
        out_specs=pl.BlockSpec(
            (MT, HB), lambda i, te_r: (jnp.minimum(i, te_r[NT] - 1), 0)),
    )
    ys = pl.pallas_call(
        _moe_body,
        grid_spec=grid_spec,
        out_shape=jax.ShapeDtypeStruct((NPAD, HB), jnp.float32),
    )(te_flat, xs, Wg, Wu, Wd)

    gp = _make_gather(nc, ns)(ys, dest_flat)
    gp2 = gp.reshape(NTOK, KK * HB)

    y = pl.pallas_call(
        _combine_body,
        grid=(NTOK // cb,),
        in_specs=[
            pl.BlockSpec((cb, HB), lambda i: (i, 0)),
            pl.BlockSpec((cb, KK * HB), lambda i: (i, 0)),
            pl.BlockSpec((cb, KK), lambda i: (i, 0)),
        ],
        out_specs=pl.BlockSpec((cb, HB), lambda i: (i, 0)),
        out_shape=jax.ShapeDtypeStruct((NTOK, HB), jnp.float32),
    )(sh, gp2, topk_w)

    return y.reshape(bsz, seq, hid)

# --- scband reference (transcript-rebuilt; emitter-appended) ---
"""Pipeline reference for scband-deepseek-v3-mo-e-71803263255218 (READ-ONLY COPY).

The authoritative reference and input builder live on the scoring server;
editing this copy changes nothing except your own understanding.
"""

import jax, jax.numpy as jnp
import numpy as np

B, S, H = 1, 2048, 1024
E = 64
TOPK = 2
NG = 8
TG = 4
DFF = 512
SCALE = 2.5


def _uinit(key, shape, fan_in):
    bound = 1.0 / np.sqrt(fan_in)
    return jax.random.uniform(key, shape, jnp.float32, -bound, bound)


def setup_inputs(seed: int = 0) -> dict:
    key = jax.random.key(seed)
    ks = jax.random.split(key, 10)
    hidden_states = jax.random.normal(ks[0], (B, S, H), jnp.float32)
    gate_w = _uinit(ks[1], (E, H), H)
    gate_b = jax.random.normal(ks[2], (E,), jnp.float32) * 0.01
    Wg = _uinit(ks[3], (E, DFF, H), H)
    Wu = _uinit(ks[4], (E, DFF, H), H)
    Wd = _uinit(ks[5], (E, H, DFF), DFF)
    Sg = _uinit(ks[6], (DFF, H), H)
    Su = _uinit(ks[7], (DFF, H), H)
    Sd = _uinit(ks[8], (H, DFF), DFF)
    return {"hidden_states": hidden_states, "gate_w": gate_w, "gate_b": gate_b,
            "Wg": Wg, "Wu": Wu, "Wd": Wd, "Sg": Sg, "Su": Su, "Sd": Sd}


def _gate(x2d, gate_w, gate_b):
    logits = x2d.astype(jnp.float32) @ gate_w.astype(jnp.float32).T
    scores = jax.nn.sigmoid(logits)
    sfc = scores + gate_b[None, :]
    n = sfc.shape[0]
    group_scores = jax.lax.top_k(sfc.reshape(n, NG, E // NG), 2)[0].sum(-1)
    group_idx = jax.lax.top_k(group_scores, TG)[1]
    group_mask = jax.nn.one_hot(group_idx, NG, dtype=sfc.dtype).sum(1)
    score_mask = jnp.repeat(group_mask, E // NG, axis=1)
    tmp = jnp.where(score_mask > 0, sfc, -jnp.inf)
    topk_idx = jax.lax.top_k(tmp, TOPK)[1]
    topk_w = jnp.take_along_axis(scores, topk_idx, axis=1)
    topk_w = topk_w / (topk_w.sum(-1, keepdims=True) + 1e-20)
    topk_w = topk_w * SCALE
    return topk_idx, topk_w


def _mlp(x, wg, wu, wd):
    return (jax.nn.silu(x @ wg.T) * (x @ wu.T)) @ wd.T


def reference(hidden_states, gate_w, gate_b, Wg, Wu, Wd, Sg, Su, Sd):
    B_, S_, H_ = hidden_states.shape
    x = hidden_states.reshape(-1, H_)
    topk_idx, topk_w = _gate(x, gate_w, gate_b)
    n = x.shape[0]
    flat_idx = topk_idx.reshape(-1)
    rows = np.arange(n * TOPK) // TOPK
    toks = x[rows]

    def body(y_pairs, inputs):
        e, wg, wu, wd = inputs
        out_e = _mlp(toks, wg, wu, wd)
        mask = (flat_idx == e)[:, None]
        return y_pairs + jnp.where(mask, out_e, 0.0), None

    y_pairs0 = jnp.zeros((n * TOPK, H_), jnp.float32)
    y_pairs, _ = jax.lax.scan(body, y_pairs0,
                              (jnp.arange(E, dtype=flat_idx.dtype), Wg, Wu, Wd))
    y = (y_pairs.reshape(n, TOPK, H_) * topk_w[..., None]).sum(1).reshape(B_, S_, H_)
    shared = _mlp(x, Sg, Su, Sd).reshape(B_, S_, H_)
    return y + shared

if __name__ == "__main__":
    import jax
    _d = setup_inputs()
    print(jax.jit(kernel)(*tuple(_d.values())))

</pallas_src>

<mosaic_0001>
#map = affine_map<(d0, d1) -> (0, 0)>
#map1 = affine_map<(d0, d1) -> (0)>
module attributes {stable_mosaic.version = 14 : i64} {
  func.func @dispatch(%arg0: i32, %arg1: i32, %arg2: memref<2048x1024xf32, #tpu.memory_space<hbm>>, %arg3: memref<4096xi32, #tpu.memory_space<hbm>>, %arg4: memref<12288x1024xf32, #tpu.memory_space<hbm>>, %arg5: memref<64xi32, #tpu.memory_space<vmem>>, %arg6: memref<64xi32, #tpu.memory_space<vmem>>, %arg7: memref<64x1024xf32, #tpu.memory_space<vmem>>, %arg8: memref<!tpu.dma_semaphore, #tpu.memory_space<semaphore_mem>>) attributes {dimension_semantics = [#tpu.dimension_semantics<core_parallel>, #tpu.dimension_semantics<subcore_parallel>], iteration_bounds = array<i64: 2, 16>, scalar_prefetch = 0 : i64, scratch_operands = 4 : i64, tpu.core_type = #tpu.core_type<sc_vector_subcore>, window_params = [{transform_indices = #map}, {transform_indices = #map1}, {transform_indices = #map}]} {
    %mul3A = arith.constant 2 : i32
    %mul3A_0 = arith.muli %arg1, %mul3A : i32
    %add3A = arith.addi %mul3A_0, %arg0 : i32
    %mul3A_1 = arith.constant 128 : i32
    %mul3A_2 = arith.muli %add3A, %mul3A_1 : i32
    %scan3A = arith.constant 0 : i32
    %scan3A_3 = arith.constant 0 : i32
    %scan3A_4 = arith.constant 2 : i32
    %scan3A_5 = arith.addi %scan3A_3, %scan3A_4 : i32
    %scan3A_6 = arith.constant 1 : i32
    scf.for %scan3A_8 = %scan3A_3 to %scan3A_5 step %scan3A_6  : i32 {
      %mul3A_9 = arith.constant 64 : i32
      %mul3A_10 = arith.muli %scan3A_8, %mul3A_9 : i32
      %add3A_11 = arith.addi %mul3A_2, %mul3A_10 : i32
      %iota3A = tpu.iota {dimensions = array<i32: 0>} : vector<16xi32>
      %add3A_12 = arith.constant 0 : i32
      %add3A_13 = arith.addi %add3A_11, %add3A_12 : i32
      %add3A_14 = vector.broadcast %add3A_13 : i32 to vector<16xi32>
      %add3A_15 = arith.addi %add3A_14, %iota3A : vector<16xi32>
      %shift_right_logical3A = arith.constant 1 : i32
      %shift_right_logical3A_16 = vector.broadcast %shift_right_logical3A : i32 to vector<16xi32>
      %shift_right_logical3A_17 = arith.shrui %add3A_15, %shift_right_logical3A_16 : vector<16xi32>
      %swap3A = arith.constant 0 : index
      %swap3A_18 = tpu.vector_load %arg5[%swap3A] {strides = array<i32>} : memref<64xi32, #tpu.memory_space<vmem>>, vector<16xi32>,
      %swap3A_19 = vector.shape_cast %swap3A_18 : vector<16xi32> to vector<16xi32>
      %swap3A_20 = vector.shape_cast %shift_right_logical3A_17 : vector<16xi32> to vector<16xi32>
      tpu.vector_store %arg5[%swap3A], %swap3A_20 {strides = array<i32>} : memref<64xi32, #tpu.memory_space<vmem>>, vector<16xi32>,
      %iota3A_21 = tpu.iota {dimensions = array<i32: 0>} : vector<16xi32>
      %add3A_22 = arith.constant 16 : i32
      %add3A_23 = arith.addi %add3A_11, %add3A_22 : i32
      %add3A_24 = vector.broadcast %add3A_23 : i32 to vector<16xi32>
      %add3A_25 = arith.addi %add3A_24, %iota3A_21 : vector<16xi32>
      %shift_right_logical3A_26 = arith.constant 1 : i32
      %shift_right_logical3A_27 = vector.broadcast %shift_right_logical3A_26 : i32 to vector<16xi32>
      %shift_right_logical3A_28 = arith.shrui %add3A_25, %shift_right_logical3A_27 : vector<16xi32>
      %swap3A_29 = arith.constant 16 : index
      %swap3A_30 = tpu.vector_load %arg5[%swap3A_29] {strides = array<i32>} : memref<64xi32, #tpu.memory_space<vmem>>, vector<16xi32>,
      %swap3A_31 = vector.shape_cast %swap3A_30 : vector<16xi32> to vector<16xi32>
      %swap3A_32 = vector.shape_cast %shift_right_logical3A_28 : vector<16xi32> to vector<16xi32>
      tpu.vector_store %arg5[%swap3A_29], %swap3A_32 {strides = array<i32>} : memref<64xi32, #tpu.memory_space<vmem>>, vector<16xi32>,
      %iota3A_33 = tpu.iota {dimensions = array<i32: 0>} : vector<16xi32>
      %add3A_34 = arith.constant 32 : i32
      %add3A_35 = arith.addi %add3A_11, %add3A_34 : i32
      %add3A_36 = vector.broadcast %add3A_35 : i32 to vector<16xi32>
      %add3A_37 = arith.addi %add3A_36, %iota3A_33 : vector<16xi32>
      %shift_right_logical3A_38 = arith.constant 1 : i32
      %shift_right_logical3A_39 = vector.broadcast %shift_right_logical3A_38 : i32 to vector<16xi32>
      %shift_right_logical3A_40 = arith.shrui %add3A_37, %shift_right_logical3A_39 : vector<16xi32>
      %swap3A_41 = arith.constant 32 : index
      %swap3A_42 = tpu.vector_load %arg5[%swap3A_41] {strides = array<i32>} : memref<64xi32, #tpu.memory_space<vmem>>, vector<16xi32>,
      %swap3A_43 = vector.shape_cast %swap3A_42 : vector<16xi32> to vector<16xi32>
      %swap3A_44 = vector.shape_cast %shift_right_logical3A_40 : vector<16xi32> to vector<16xi32>
      tpu.vector_store %arg5[%swap3A_41], %swap3A_44 {strides = array<i32>} : memref<64xi32, #tpu.memory_space<vmem>>, vector<16xi32>,
      %iota3A_45 = tpu.iota {dimensions = array<i32: 0>} : vector<16xi32>
      %add3A_46 = arith.constant 48 : i32
      %add3A_47 = arith.addi %add3A_11, %add3A_46 : i32
      %add3A_48 = vector.broadcast %add3A_47 : i32 to vector<16xi32>
      %add3A_49 = arith.addi %add3A_48, %iota3A_45 : vector<16xi32>
      %shift_right_logical3A_50 = arith.constant 1 : i32
      %shift_right_logical3A_51 = vector.broadcast %shift_right_logical3A_50 : i32 to vector<16xi32>
      %shift_right_logical3A_52 = arith.shrui %add3A_49, %shift_right_logical3A_51 : vector<16xi32>
      %swap3A_53 = arith.constant 48 : index
      %swap3A_54 = tpu.vector_load %arg5[%swap3A_53] {strides = array<i32>} : memref<64xi32, #tpu.memory_space<vmem>>, vector<16xi32>,
      %swap3A_55 = vector.shape_cast %swap3A_54 : vector<16xi32> to vector<16xi32>
      %swap3A_56 = vector.shape_cast %shift_right_logical3A_52 : vector<16xi32> to vector<16xi32>
      tpu.vector_store %arg5[%swap3A_53], %swap3A_56 {strides = array<i32>} : memref<64xi32, #tpu.memory_space<vmem>>, vector<16xi32>,
      "tpu.region"() ({
        %run_scoped3A = tpu.sem_alloc : memref<!tpu.dma_semaphore, #tpu.memory_space<semaphore_mem>>
        %dma_start3A_67 = tpu.memref_slice %arg3[%add3A_11] : memref<4096xi32, #tpu.memory_space<hbm>> -> memref<64xi32, #tpu.memory_space<hbm>>
        %dma_start3A_68 = tpu.memref_slice %arg3[%add3A_11] : memref<4096xi32, #tpu.memory_space<hbm>> -> memref<64xi32, #tpu.memory_space<hbm>>
        tpu.enqueue_dma source(%dma_start3A_68 : memref<64xi32, #tpu.memory_space<hbm>>) target(%arg6 : memref<64xi32, #tpu.memory_space<vmem>>) target_semaphore(%run_scoped3A : memref<!tpu.dma_semaphore, #tpu.memory_space<semaphore_mem>>)
        %dma_wait3A_69 = tpu.memref_slice %arg3[%add3A_11] : memref<4096xi32, #tpu.memory_space<hbm>> -> memref<64xi32, #tpu.memory_space<hbm>>
        %dma_wait3A_70 = tpu.memref_slice %arg3[%add3A_11] : memref<4096xi32, #tpu.memory_space<hbm>> -> memref<64xi32, #tpu.memory_space<hbm>>
        tpu.wait_dma2 semaphore(%run_scoped3A : memref<!tpu.dma_semaphore, #tpu.memory_space<semaphore_mem>>) src(%dma_wait3A_70 : memref<64xi32, #tpu.memory_space<hbm>>) dst(%arg6 : memref<64xi32, #tpu.memory_space<vmem>>)
        tpu.yield
      }) : () -> ()
      %dma_start3A = arith.constant 0 : i32
      %dma_start3A_57 = arith.constant 0 : i32
      %dma_start3A_58 = tpu.memref_slice %arg2[%dma_start3A, %dma_start3A_57] : memref<2048x1024xf32, #tpu.memory_space<hbm>> -> memref<2048x1024xf32, #tpu.memory_space<hbm>>
      tpu.enqueue_indirect_dma source(%dma_start3A_58 : memref<2048x1024xf32, #tpu.memory_space<hbm>>) target(%arg7 : memref<64x1024xf32, #tpu.memory_space<vmem>>) offsets(%arg5 : memref<64xi32, #tpu.memory_space<vmem>>) semaphore(%arg8 : memref<!tpu.dma_semaphore, #tpu.memory_space<semaphore_mem>>)
      %dma_wait3A = arith.constant 0 : i32
      %dma_wait3A_59 = arith.constant 0 : i32
      %dma_wait3A_60 = tpu.memref_slice %arg2[%dma_wait3A, %dma_wait3A_59] : memref<2048x1024xf32, #tpu.memory_space<hbm>> -> memref<2048x1024xf32, #tpu.memory_space<hbm>>
      tpu.wait_indirect_dma semaphore(%arg8 : memref<!tpu.dma_semaphore, #tpu.memory_space<semaphore_mem>>) src(%dma_wait3A_60 : memref<2048x1024xf32, #tpu.memory_space<hbm>>) dst(%arg7 : memref<64x1024xf32, #tpu.memory_space<vmem>>)
      %dma_start3A_61 = arith.constant 0 : i32
      %dma_start3A_62 = arith.constant 0 : i32
      %dma_start3A_63 = tpu.memref_slice %arg4[%dma_start3A_61, %dma_start3A_62] : memref<12288x1024xf32, #tpu.memory_space<hbm>> -> memref<12288x1024xf32, #tpu.memory_space<hbm>>
      tpu.enqueue_indirect_dma source(%arg7 : memref<64x1024xf32, #tpu.memory_space<vmem>>) target(%dma_start3A_63 : memref<12288x1024xf32, #tpu.memory_space<hbm>>) offsets(%arg6 : memref<64xi32, #tpu.memory_space<vmem>>) semaphore(%arg8 : memref<!tpu.dma_semaphore, #tpu.memory_space<semaphore_mem>>)
      %dma_wait3A_64 = arith.constant 0 : i32
      %dma_wait3A_65 = arith.constant 0 : i32
      %dma_wait3A_66 = tpu.memref_slice %arg4[%dma_wait3A_64, %dma_wait3A_65] : memref<12288x1024xf32, #tpu.memory_space<hbm>> -> memref<12288x1024xf32, #tpu.memory_space<hbm>>
      tpu.wait_indirect_dma semaphore(%arg8 : memref<!tpu.dma_semaphore, #tpu.memory_space<semaphore_mem>>) src(%arg7 : memref<64x1024xf32, #tpu.memory_space<vmem>>) dst(%dma_wait3A_66 : memref<12288x1024xf32, #tpu.memory_space<hbm>>)
    }
    %scan3A_7 = arith.constant 2 : i32
    return
  }
}

#map = affine_map<(d0, d1) -> (0, 0)>
#map1 = affine_map<(d0, d1) -> (0)>
module attributes {stable_mosaic.version = 14 : i64} {
  func.func @gather(%arg0: i32, %arg1: i32, %arg2: memref<12288x1024xf32, #tpu.memory_space<hbm>>, %arg3: memref<4096xi32, #tpu.memory_space<hbm>>, %arg4: memref<4096x1024xf32, #tpu.memory_space<hbm>>, %arg5: memref<32xi32, #tpu.memory_space<vmem>>, %arg6: memref<32x1024xf32, #tpu.memory_space<vmem>>, %arg7: memref<!tpu.dma_semaphore, #tpu.memory_space<semaphore_mem>>) attributes {dimension_semantics = [#tpu.dimension_semantics<core_parallel>, #tpu.dimension_semantics<subcore_parallel>], iteration_bounds = array<i64: 2, 16>, scalar_prefetch = 0 : i64, scratch_operands = 3 : i64, tpu.core_type = #tpu.core_type<sc_vector_subcore>, window_params = [{transform_indices = #map}, {transform_indices = #map1}, {transform_indices = #map}]} {
    %mul3A = arith.constant 2 : i32
    %mul3A_0 = arith.muli %arg1, %mul3A : i32
    %add3A = arith.addi %mul3A_0, %arg0 : i32
    %mul3A_1 = arith.constant 128 : i32
    %mul3A_2 = arith.muli %add3A, %mul3A_1 : i32
    %scan3A = arith.constant 0 : i32
    %scan3A_3 = arith.constant 0 : i32
    %scan3A_4 = arith.constant 4 : i32
    %scan3A_5 = arith.addi %scan3A_3, %scan3A_4 : i32
    %scan3A_6 = arith.constant 1 : i32
    scf.for %scan3A_8 = %scan3A_3 to %scan3A_5 step %scan3A_6  : i32 {
      %mul3A_9 = arith.constant 32 : i32
      %mul3A_10 = arith.muli %scan3A_8, %mul3A_9 : i32
      %add3A_11 = arith.addi %mul3A_2, %mul3A_10 : i32
      "tpu.region"() ({
        %run_scoped3A = tpu.sem_alloc : memref<!tpu.dma_semaphore, #tpu.memory_space<semaphore_mem>>
        %dma_start3A_16 = tpu.memref_slice %arg3[%add3A_11] : memref<4096xi32, #tpu.memory_space<hbm>> -> memref<32xi32, #tpu.memory_space<hbm>>
        %dma_start3A_17 = tpu.memref_slice %arg3[%add3A_11] : memref<4096xi32, #tpu.memory_space<hbm>> -> memref<32xi32, #tpu.memory_space<hbm>>
        tpu.enqueue_dma source(%dma_start3A_17 : memref<32xi32, #tpu.memory_space<hbm>>) target(%arg5 : memref<32xi32, #tpu.memory_space<vmem>>) target_semaphore(%run_scoped3A : memref<!tpu.dma_semaphore, #tpu.memory_space<semaphore_mem>>)
        %dma_wait3A_18 = tpu.memref_slice %arg3[%add3A_11] : memref<4096xi32, #tpu.memory_space<hbm>> -> memref<32xi32, #tpu.memory_space<hbm>>
        %dma_wait3A_19 = tpu.memref_slice %arg3[%add3A_11] : memref<4096xi32, #tpu.memory_space<hbm>> -> memref<32xi32, #tpu.memory_space<hbm>>
        tpu.wait_dma2 semaphore(%run_scoped3A : memref<!tpu.dma_semaphore, #tpu.memory_space<semaphore_mem>>) src(%dma_wait3A_19 : memref<32xi32, #tpu.memory_space<hbm>>) dst(%arg5 : memref<32xi32, #tpu.memory_space<vmem>>)
        tpu.yield
      }) : () -> ()
      %dma_start3A = arith.constant 0 : i32
      %dma_start3A_12 = arith.constant 0 : i32
      %dma_start3A_13 = tpu.memref_slice %arg2[%dma_start3A, %dma_start3A_12] : memref<12288x1024xf32, #tpu.memory_space<hbm>> -> memref<12288x1024xf32, #tpu.memory_space<hbm>>
      tpu.enqueue_indirect_dma source(%dma_start3A_13 : memref<12288x1024xf32, #tpu.memory_space<hbm>>) target(%arg6 : memref<32x1024xf32, #tpu.memory_space<vmem>>) offsets(%arg5 : memref<32xi32, #tpu.memory_space<vmem>>) semaphore(%arg7 : memref<!tpu.dma_semaphore, #tpu.memory_space<semaphore_mem>>)
      %dma_wait3A = arith.constant 0 : i32
      %dma_wait3A_14 = arith.constant 0 : i32
      %dma_wait3A_15 = tpu.memref_slice %arg2[%dma_wait3A, %dma_wait3A_14] : memref<12288x1024xf32, #tpu.memory_space<hbm>> -> memref<12288x1024xf32, #tpu.memory_space<hbm>>
      tpu.wait_indirect_dma semaphore(%arg7 : memref<!tpu.dma_semaphore, #tpu.memory_space<semaphore_mem>>) src(%dma_wait3A_15 : memref<12288x1024xf32, #tpu.memory_space<hbm>>) dst(%arg6 : memref<32x1024xf32, #tpu.memory_space<vmem>>)
      "tpu.region"() ({
        %run_scoped3A = tpu.sem_alloc : memref<!tpu.dma_semaphore, #tpu.memory_space<semaphore_mem>>
        %dma_start3A_16 = arith.constant 0 : i32
        %dma_start3A_17 = tpu.memref_slice %arg4[%add3A_11, %dma_start3A_16] : memref<4096x1024xf32, #tpu.memory_space<hbm>> -> memref<32x1024xf32, #tpu.memory_space<hbm>>
        %dma_start3A_18 = arith.constant 0 : i32
        %dma_start3A_19 = tpu.memref_slice %arg4[%add3A_11, %dma_start3A_18] : memref<4096x1024xf32, #tpu.memory_space<hbm>> -> memref<32x1024xf32, #tpu.memory_space<hbm>>
        tpu.enqueue_dma source(%arg6 : memref<32x1024xf32, #tpu.memory_space<vmem>>) target(%dma_start3A_19 : memref<32x1024xf32, #tpu.memory_space<hbm>>) target_semaphore(%run_scoped3A : memref<!tpu.dma_semaphore, #tpu.memory_space<semaphore_mem>>)
        %dma_wait3A_20 = arith.constant 0 : i32
        %dma_wait3A_21 = tpu.memref_slice %arg4[%add3A_11, %dma_wait3A_20] : memref<4096x1024xf32, #tpu.memory_space<hbm>> -> memref<32x1024xf32, #tpu.memory_space<hbm>>
        %dma_wait3A_22 = arith.constant 0 : i32
        %dma_wait3A_23 = tpu.memref_slice %arg4[%add3A_11, %dma_wait3A_22] : memref<4096x1024xf32, #tpu.memory_space<hbm>> -> memref<32x1024xf32, #tpu.memory_space<hbm>>
        tpu.wait_dma2 semaphore(%run_scoped3A : memref<!tpu.dma_semaphore, #tpu.memory_space<semaphore_mem>>) src(%arg6 : memref<32x1024xf32, #tpu.memory_space<vmem>>) dst(%dma_wait3A_23 : memref<32x1024xf32, #tpu.memory_space<hbm>>)
        tpu.yield
      }) : () -> ()
    }
    %scan3A_7 = arith.constant 4 : i32
    return
  }
}

module attributes {stable_mosaic.version = 14 : i64} {
  func.func @_gate_route_body(%arg0: memref<2048x1024xf32, #tpu.memory_space<vmem>>, %arg1: memref<64x1024xf32, #tpu.memory_space<vmem>>, %arg2: memref<1x64xf32, #tpu.memory_space<vmem>>, %arg3: memref<2048x2xf32, #tpu.memory_space<vmem>>, %arg4: memref<2048x2xi32, #tpu.memory_space<vmem>>, %arg5: memref<97x1xi32, #tpu.memory_space<vmem>>) attributes {dimension_semantics = [], scalar_prefetch = 0 : i64, scratch_operands = 0 : i64, tpu.core_type = #tpu.core_type<tc>} {
    %get3A = arith.constant 0 : index
    %get3A_0 = arith.constant 0 : index
    %get3A_1 = vector.load %arg0[%get3A, %get3A_0] : memref<2048x1024xf32, #tpu.memory_space<vmem>>, vector<2048x1024xf32>
    %get3A_2 = arith.constant 0 : index
    %get3A_3 = arith.constant 0 : index
    %get3A_4 = vector.load %arg1[%get3A_2, %get3A_3] : memref<64x1024xf32, #tpu.memory_space<vmem>>, vector<64x1024xf32>
    %get3A_5 = arith.constant 0 : index
    %get3A_6 = arith.constant 0 : index
    %get3A_7 = vector.load %arg2[%get3A_5, %get3A_6] : memref<1x64xf32, #tpu.memory_space<vmem>>, vector<1x64xf32>
    %dot_general3A = arith.constant dense<0.000000e+00> : vector<2048x64xf32>
    %dot_general3A_8 = tpu.matmul %get3A_1, %get3A_4, %dot_general3A {dimension_numbers = #tpu.dot_dimension_numbers<[1], [1], [0], [0], [0, 0, 1, 0], [], []>, transpose_lhs_hint = false} : vector<2048x1024xf32>, vector<64x1024xf32>, vector<2048x64xf32> -> vector<2048x64xf32>
    %logistic3A = arith.negf %dot_general3A_8 : vector<2048x64xf32>
    %logistic3A_9 = math.exp %logistic3A : vector<2048x64xf32>
    %logistic3A_10 = arith.constant 1.000000e+00 : f32
    %logistic3A_11 = vector.broadcast %logistic3A_10 : f32 to vector<2048x64xf32>
    %logistic3A_12 = arith.addf %logistic3A_11, %logistic3A_9 : vector<2048x64xf32>
    %logistic3A_13 = arith.divf %logistic3A_11, %logistic3A_12 : vector<2048x64xf32>
    %add3A = vector.broadcast %get3A_7 : vector<1x64xf32> to vector<2048x64xf32>
    %add3A_14 = arith.addf %logistic3A_13, %add3A : vector<2048x64xf32>
    %iota3A = tpu.iota {dimensions = array<i32: 1>} : vector<2048x8xi32>
    %slice3A = vector.extract_strided_slice %add3A_14 {offsets = [0, 0], sizes = [2048, 8], strides = [1, 1]} : vector<2048x64xf32> to vector<2048x8xf32>
    %reduce_max3A = arith.constant dense<0xFF800000> : vector<2048xf32>
    %reduce_max3A_15 = vector.multi_reduction <maximumf>, %slice3A, %reduce_max3A [1] : vector<2048x8xf32> to vector<2048xf32>
    %broadcast_in_dim3A = vector.shape_cast %reduce_max3A_15 : vector<2048xf32> to vector<2048x1xf32>
    %eq3A = vector.broadcast %broadcast_in_dim3A : vector<2048x1xf32> to vector<2048x8xf32>
    %eq3A_16 = arith.cmpf oeq, %slice3A, %eq3A : vector<2048x8xf32>
    %jit3A = arith.constant 8 : i32
    %broadcast_in_dim3A_17 = vector.broadcast %jit3A : i32 to vector<2048x8xi32>
    %select_n3A = arith.select %eq3A_16, %iota3A, %broadcast_in_dim3A_17 : vector<2048x8xi1>, vector<2048x8xi32>
    %reduce_min3A = arith.constant dense<2147483647> : vector<2048xi32>
    %reduce_min3A_18 = vector.multi_reduction <minsi>, %select_n3A, %reduce_min3A [1] : vector<2048x8xi32> to vector<2048xi32>
    %broadcast_in_dim3A_19 = vector.shape_cast %reduce_min3A_18 : vector<2048xi32> to vector<2048x1xi32>
    %eq3A_20 = vector.broadcast %broadcast_in_dim3A_19 : vector<2048x1xi32> to vector<2048x8xi32>
    %eq3A_21 = arith.cmpi eq, %iota3A, %eq3A_20 : vector<2048x8xi32>
    %jit3A_22 = arith.constant 0xFF800000 : f32
    %broadcast_in_dim3A_23 = vector.broadcast %jit3A_22 : f32 to vector<2048x8xf32>
    %select_n3A_24 = arith.select %eq3A_21, %broadcast_in_dim3A_23, %slice3A : vector<2048x8xi1>, vector<2048x8xf32>
    %reduce_max3A_25 = arith.constant dense<0xFF800000> : vector<2048xf32>
    %reduce_max3A_26 = vector.multi_reduction <maximumf>, %select_n3A_24, %reduce_max3A_25 [1] : vector<2048x8xf32> to vector<2048xf32>
    %broadcast_in_dim3A_27 = vector.shape_cast %reduce_max3A_26 : vector<2048xf32> to vector<2048x1xf32>
    %add3A_28 = arith.addf %broadcast_in_dim3A, %broadcast_in_dim3A_27 : vector<2048x1xf32>
    %slice3A_29 = vector.extract_strided_slice %add3A_14 {offsets = [0, 8], sizes = [2048, 8], strides = [1, 1]} : vector<2048x64xf32> to vector<2048x8xf32>
    %reduce_max3A_30 = arith.constant dense<0xFF800000> : vector<2048xf32>
    %reduce_max3A_31 = vector.multi_reduction <maximumf>, %slice3A_29, %reduce_max3A_30 [1] : vector<2048x8xf32> to vector<2048xf32>
    %broadcast_in_dim3A_32 = vector.shape_cast %reduce_max3A_31 : vector<2048xf32> to vector<2048x1xf32>
    %eq3A_33 = vector.broadcast %broadcast_in_dim3A_32 : vector<2048x1xf32> to vector<2048x8xf32>
    %eq3A_34 = arith.cmpf oeq, %slice3A_29, %eq3A_33 : vector<2048x8xf32>
    %jit3A_35 = arith.constant 8 : i32
    %broadcast_in_dim3A_36 = vector.broadcast %jit3A_35 : i32 to vector<2048x8xi32>
    %select_n3A_37 = arith.select %eq3A_34, %iota3A, %broadcast_in_dim3A_36 : vector<2048x8xi1>, vector<2048x8xi32>
    %reduce_min3A_38 = arith.constant dense<2147483647> : vector<2048xi32>
    %reduce_min3A_39 = vector.multi_reduction <minsi>, %select_n3A_37, %reduce_min3A_38 [1] : vector<2048x8xi32> to vector<2048xi32>
    %broadcast_in_dim3A_40 = vector.shape_cast %reduce_min3A_39 : vector<2048xi32> to vector<2048x1xi32>
    %eq3A_41 = vector.broadcast %broadcast_in_dim3A_40 : vector<2048x1xi32> to vector<2048x8xi32>
    %eq3A_42 = arith.cmpi eq, %iota3A, %eq3A_41 : vector<2048x8xi32>
    %jit3A_43 = arith.constant 0xFF800000 : f32
    %broadcast_in_dim3A_44 = vector.broadcast %jit3A_43 : f32 to vector<2048x8xf32>
    %select_n3A_45 = arith.select %eq3A_42, %broadcast_in_dim3A_44, %slice3A_29 : vector<2048x8xi1>, vector<2048x8xf32>
    %reduce_max3A_46 = arith.constant dense<0xFF800000> : vector<2048xf32>
    %reduce_max3A_47 = vector.multi_reduction <maximumf>, %select_n3A_45, %reduce_max3A_46 [1] : vector<2048x8xf32> to vector<2048xf32>
    %broadcast_in_dim3A_48 = vector.shape_cast %reduce_max3A_47 : vector<2048xf32> to vector<2048x1xf32>
    %add3A_49 = arith.addf %broadcast_in_dim3A_32, %broadcast_in_dim3A_48 : vector<2048x1xf32>
    %slice3A_50 = vector.extract_strided_slice %add3A_14 {offsets = [0, 16], sizes = [2048, 8], strides = [1, 1]} : vector<2048x64xf32> to vector<2048x8xf32>
    %reduce_max3A_51 = arith.constant dense<0xFF800000> : vector<2048xf32>
    %reduce_max3A_52 = vector.multi_reduction <maximumf>, %slice3A_50, %reduce_max3A_51 [1] : vector<2048x8xf32> to vector<2048xf32>
    %broadcast_in_dim3A_53 = vector.shape_cast %reduce_max3A_52 : vector<2048xf32> to vector<2048x1xf32>
    %eq3A_54 = vector.broadcast %broadcast_in_dim3A_53 : vector<2048x1xf32> to vector<2048x8xf32>
    %eq3A_55 = arith.cmpf oeq, %slice3A_50, %eq3A_54 : vector<2048x8xf32>
    %jit3A_56 = arith.constant 8 : i32
    %broadcast_in_dim3A_57 = vector.broadcast %jit3A_56 : i32 to vector<2048x8xi32>
    %select_n3A_58 = arith.select %eq3A_55, %iota3A, %broadcast_in_dim3A_57 : vector<2048x8xi1>, vector<2048x8xi32>
    %reduce_min3A_59 = arith.constant dense<2147483647> : vector<2048xi32>
    %reduce_min3A_60 = vector.multi_reduction <minsi>, %select_n3A_58, %reduce_min3A_59 [1] : vector<2048x8xi32> to vector<2048xi32>
    %broadcast_in_dim3A_61 = vector.shape_cast %reduce_min3A_60 : vector<2048xi32> to vector<2048x1xi32>
    %eq3A_62 = vector.broadcast %broadcast_in_dim3A_61 : vector<2048x1xi32> to vector<2048x8xi32>
    %eq3A_63 = arith.cmpi eq, %iota3A, %eq3A_62 : vector<2048x8xi32>
    %jit3A_64 = arith.constant 0xFF800000 : f32
    %broadcast_in_dim3A_65 = vector.broadcast %jit3A_64 : f32 to vector<2048x8xf32>
    %select_n3A_66 = arith.select %eq3A_63, %broadcast_in_dim3A_65, %slice3A_50 : vector<2048x8xi1>, vector<2048x8xf32>
    %reduce_max3A_67 = arith.constant dense<0xFF800000> : vector<2048xf32>
    %reduce_max3A_68 = vector.multi_reduction <maximumf>, %select_n3A_66, %reduce_max3A_67 [1] : vector<2048x8xf32> to vector<2048xf32>
    %broadcast_in_dim3A_69 = vector.shape_cast %reduce_max3A_68 : vector<2048xf32> to vector<2048x1xf32>
    %add3A_70 = arith.addf %broadcast_in_dim3A_53, %broadcast_in_dim3A_69 : vector<2048x1xf32>
    %slice3A_71 = vector.extract_strided_slice %add3A_14 {offsets = [0, 24], sizes = [2048, 8], strides = [1, 1]} : vector<2048x64xf32> to vector<2048x8xf32>
    %reduce_max3A_72 = arith.constant dense<0xFF800000> : vector<2048xf32>
    %reduce_max3A_73 = vector.multi_reduction <maximumf>, %slice3A_71, %reduce_max3A_72 [1] : vector<2048x8xf32> to vector<2048xf32>
    %broadcast_in_dim3A_74 = vector.shape_cast %reduce_max3A_73 : vector<2048xf32> to vector<2048x1xf32>
    %eq3A_75 = vector.broadcast %broadcast_in_dim3A_74 : vector<2048x1xf32> to vector<2048x8xf32>
    %eq3A_76 = arith.cmpf oeq, %slice3A_71, %eq3A_75 : vector<2048x8xf32>
    %jit3A_77 = arith.constant 8 : i32
    %broadcast_in_dim3A_78 = vector.broadcast %jit3A_77 : i32 to vector<2048x8xi32>
    %select_n3A_79 = arith.select %eq3A_76, %iota3A, %broadcast_in_dim3A_78 : vector<2048x8xi1>, vector<2048x8xi32>
    %reduce_min3A_80 = arith.constant dense<2147483647> : vector<2048xi32>
    %reduce_min3A_81 = vector.multi_reduction <minsi>, %select_n3A_79, %reduce_min3A_80 [1] : vector<2048x8xi32> to vector<2048xi32>
    %broadcast_in_dim3A_82 = vector.shape_cast %reduce_min3A_81 : vector<2048xi32> to vector<2048x1xi32>
    %eq3A_83 = vector.broadcast %broadcast_in_dim3A_82 : vector<2048x1xi32> to vector<2048x8xi32>
    %eq3A_84 = arith.cmpi eq, %iota3A, %eq3A_83 : vector<2048x8xi32>
    %jit3A_85 = arith.constant 0xFF800000 : f32
    %broadcast_in_dim3A_86 = vector.broadcast %jit3A_85 : f32 to vector<2048x8xf32>
    %select_n3A_87 = arith.select %eq3A_84, %broadcast_in_dim3A_86, %slice3A_71 : vector<2048x8xi1>, vector<2048x8xf32>
    %reduce_max3A_88 = arith.constant dense<0xFF800000> : vector<2048xf32>
    %reduce_max3A_89 = vector.multi_reduction <maximumf>, %select_n3A_87, %reduce_max3A_88 [1] : vector<2048x8xf32> to vector<2048xf32>
    %broadcast_in_dim3A_90 = vector.shape_cast %reduce_max3A_89 : vector<2048xf32> to vector<2048x1xf32>
    %add3A_91 = arith.addf %broadcast_in_dim3A_74, %broadcast_in_dim3A_90 : vector<2048x1xf32>
    %slice3A_92 = vector.extract_strided_slice %add3A_14 {offsets = [0, 32], sizes = [2048, 8], strides = [1, 1]} : vector<2048x64xf32> to vector<2048x8xf32>
    %reduce_max3A_93 = arith.constant dense<0xFF800000> : vector<2048xf32>
    %reduce_max3A_94 = vector.multi_reduction <maximumf>, %slice3A_92, %reduce_max3A_93 [1] : vector<2048x8xf32> to vector<2048xf32>
    %broadcast_in_dim3A_95 = vector.shape_cast %reduce_max3A_94 : vector<2048xf32> to vector<2048x1xf32>
    %eq3A_96 = vector.broadcast %broadcast_in_dim3A_95 : vector<2048x1xf32> to vector<2048x8xf32>
    %eq3A_97 = arith.cmpf oeq, %slice3A_92, %eq3A_96 : vector<2048x8xf32>
    %jit3A_98 = arith.constant 8 : i32
    %broadcast_in_dim3A_99 = vector.broadcast %jit3A_98 : i32 to vector<2048x8xi32>
    %select_n3A_100 = arith.select %eq3A_97, %iota3A, %broadcast_in_dim3A_99 : vector<2048x8xi1>, vector<2048x8xi32>
    %reduce_min3A_101 = arith.constant dense<2147483647> : vector<2048xi32>
    %reduce_min3A_102 = vector.multi_reduction <minsi>, %select_n3A_100, %reduce_min3A_101 [1] : vector<2048x8xi32> to vector<2048xi32>
    %broadcast_in_dim3A_103 = vector.shape_cast %reduce_min3A_102 : vector<2048xi32> to vector<2048x1xi32>
    %eq3A_104 = vector.broadcast %broadcast_in_dim3A_103 : vector<2048x1xi32> to vector<2048x8xi32>
    %eq3A_105 = arith.cmpi eq, %iota3A, %eq3A_104 : vector<2048x8xi32>
    %jit3A_106 = arith.constant 0xFF800000 : f32
    %broadcast_in_dim3A_107 = vector.broadcast %jit3A_106 : f32 to vector<2048x8xf32>
    %select_n3A_108 = arith.select %eq3A_105, %broadcast_in_dim3A_107, %slice3A_92 : vector<2048x8xi1>, vector<2048x8xf32>
    %reduce_max3A_109 = arith.constant dense<0xFF800000> : vector<2048xf32>
    %reduce_max3A_110 = vector.multi_reduction <maximumf>, %select_n3A_108, %reduce_max3A_109 [1] : vector<2048x8xf32> to vector<2048xf32>
    %broadcast_in_dim3A_111 = vector.shape_cast %reduce_max3A_110 : vector<2048xf32> to vector<2048x1xf32>
    %add3A_112 = arith.addf %broadcast_in_dim3A_95, %broadcast_in_dim3A_111 : vector<2048x1xf32>
    %slice3A_113 = vector.extract_strided_slice %add3A_14 {offsets = [0, 40], sizes = [2048, 8], strides = [1, 1]} : vector<2048x64xf32> to vector<2048x8xf32>
    %reduce_max3A_114 = arith.constant dense<0xFF800000> : vector<2048xf32>
    %reduce_max3A_115 = vector.multi_reduction <maximumf>, %slice3A_113, %reduce_max3A_114 [1] : vector<2048x8xf32> to vector<2048xf32>
    %broadcast_in_dim3A_116 = vector.shape_cast %reduce_max3A_115 : vector<2048xf32> to vector<2048x1xf32>
    %eq3A_117 = vector.broadcast %broadcast_in_dim3A_116 : vector<2048x1xf32> to vector<2048x8xf32>
    %eq3A_118 = arith.cmpf oeq, %slice3A_113, %eq3A_117 : vector<2048x8xf32>
    %jit3A_119 = arith.constant 8 : i32
    %broadcast_in_dim3A_120 = vector.broadcast %jit3A_119 : i32 to vector<2048x8xi32>
    %select_n3A_121 = arith.select %eq3A_118, %iota3A, %broadcast_in_dim3A_120 : vector<2048x8xi1>, vector<2048x8xi32>
    %reduce_min3A_122 = arith.constant dense<2147483647> : vector<2048xi32>
    %reduce_min3A_123 = vector.multi_reduction <minsi>, %select_n3A_121, %reduce_min3A_122 [1] : vector<2048x8xi32> to vector<2048xi32>
    %broadcast_in_dim3A_124 = vector.shape_cast %reduce_min3A_123 : vector<2048xi32> to vector<2048x1xi32>
    %eq3A_125 = vector.broadcast %broadcast_in_dim3A_124 : vector<2048x1xi32> to vector<2048x8xi32>
    %eq3A_126 = arith.cmpi eq, %iota3A, %eq3A_125 : vector<2048x8xi32>
    %jit3A_127 = arith.constant 0xFF800000 : f32
    %broadcast_in_dim3A_128 = vector.broadcast %jit3A_127 : f32 to vector<2048x8xf32>
    %select_n3A_129 = arith.select %eq3A_126, %broadcast_in_dim3A_128, %slice3A_113 : vector<2048x8xi1>, vector<2048x8xf32>
    %reduce_max3A_130 = arith.constant dense<0xFF800000> : vector<2048xf32>
    %reduce_max3A_131 = vector.multi_reduction <maximumf>, %select_n3A_129, %reduce_max3A_130 [1] : vector<2048x8xf32> to vector<2048xf32>
    %broadcast_in_dim3A_132 = vector.shape_cast %reduce_max3A_131 : vector<2048xf32> to vector<2048x1xf32>
    %add3A_133 = arith.addf %broadcast_in_dim3A_116, %broadcast_in_dim3A_132 : vector<2048x1xf32>
    %slice3A_134 = vector.extract_strided_slice %add3A_14 {offsets = [0, 48], sizes = [2048, 8], strides = [1, 1]} : vector<2048x64xf32> to vector<2048x8xf32>
    %reduce_max3A_135 = arith.constant dense<0xFF800000> : vector<2048xf32>
    %reduce_max3A_136 = vector.multi_reduction <maximumf>, %slice3A_134, %reduce_max3A_135 [1] : vector<2048x8xf32> to vector<2048xf32>
    %broadcast_in_dim3A_137 = vector.shape_cast %reduce_max3A_136 : vector<2048xf32> to vector<2048x1xf32>
    %eq3A_138 = vector.broadcast %broadcast_in_dim3A_137 : vector<2048x1xf32> to vector<2048x8xf32>
    %eq3A_139 = arith.cmpf oeq, %slice3A_134, %eq3A_138 : vector<2048x8xf32>
    %jit3A_140 = arith.constant 8 : i32
    %broadcast_in_dim3A_141 = vector.broadcast %jit3A_140 : i32 to vector<2048x8xi32>
    %select_n3A_142 = arith.select %eq3A_139, %iota3A, %broadcast_in_dim3A_141 : vector<2048x8xi1>, vector<2048x8xi32>
    %reduce_min3A_143 = arith.constant dense<2147483647> : vector<2048xi32>
    %reduce_min3A_144 = vector.multi_reduction <minsi>, %select_n3A_142, %reduce_min3A_143 [1] : vector<2048x8xi32> to vector<2048xi32>
    %broadcast_in_dim3A_145 = vector.shape_cast %reduce_min3A_144 : vector<2048xi32> to vector<2048x1xi32>
    %eq3A_146 = vector.broadcast %broadcast_in_dim3A_145 : vector<2048x1xi32> to vector<2048x8xi32>
    %eq3A_147 = arith.cmpi eq, %iota3A, %eq3A_146 : vector<2048x8xi32>
    %jit3A_148 = arith.constant 0xFF800000 : f32
    %broadcast_in_dim3A_149 = vector.broadcast %jit3A_148 : f32 to vector<2048x8xf32>
    %select_n3A_150 = arith.select %eq3A_147, %broadcast_in_dim3A_149, %slice3A_134 : vector<2048x8xi1>, vector<2048x8xf32>
    %reduce_max3A_151 = arith.constant dense<0xFF800000> : vector<2048xf32>
    %reduce_max3A_152 = vector.multi_reduction <maximumf>, %select_n3A_150, %reduce_max3A_151 [1] : vector<2048x8xf32> to vector<2048xf32>
    %broadcast_in_dim3A_153 = vector.shape_cast %reduce_max3A_152 : vector<2048xf32> to vector<2048x1xf32>
    %add3A_154 = arith.addf %broadcast_in_dim3A_137, %broadcast_in_dim3A_153 : vector<2048x1xf32>
    %slice3A_155 = vector.extract_strided_slice %add3A_14 {offsets = [0, 56], sizes = [2048, 8], strides = [1, 1]} : vector<2048x64xf32> to vector<2048x8xf32>
    %reduce_max3A_156 = arith.constant dense<0xFF800000> : vector<2048xf32>
    %reduce_max3A_157 = vector.multi_reduction <maximumf>, %slice3A_155, %reduce_max3A_156 [1] : vector<2048x8xf32> to vector<2048xf32>
    %broadcast_in_dim3A_158 = vector.shape_cast %reduce_max3A_157 : vector<2048xf32> to vector<2048x1xf32>
    %eq3A_159 = vector.broadcast %broadcast_in_dim3A_158 : vector<2048x1xf32> to vector<2048x8xf32>
    %eq3A_160 = arith.cmpf oeq, %slice3A_155, %eq3A_159 : vector<2048x8xf32>
    %jit3A_161 = arith.constant 8 : i32
    %broadcast_in_dim3A_162 = vector.broadcast %jit3A_161 : i32 to vector<2048x8xi32>
    %select_n3A_163 = arith.select %eq3A_160, %iota3A, %broadcast_in_dim3A_162 : vector<2048x8xi1>, vector<2048x8xi32>
    %reduce_min3A_164 = arith.constant dense<2147483647> : vector<2048xi32>
    %reduce_min3A_165 = vector.multi_reduction <minsi>, %select_n3A_163, %reduce_min3A_164 [1] : vector<2048x8xi32> to vector<2048xi32>
    %broadcast_in_dim3A_166 = vector.shape_cast %reduce_min3A_165 : vector<2048xi32> to vector<2048x1xi32>
    %eq3A_167 = vector.broadcast %broadcast_in_dim3A_166 : vector<2048x1xi32> to vector<2048x8xi32>
    %eq3A_168 = arith.cmpi eq, %iota3A, %eq3A_167 : vector<2048x8xi32>
    %jit3A_169 = arith.constant 0xFF800000 : f32
    %broadcast_in_dim3A_170 = vector.broadcast %jit3A_169 : f32 to vector<2048x8xf32>
    %select_n3A_171 = arith.select %eq3A_168, %broadcast_in_dim3A_170, %slice3A_155 : vector<2048x8xi1>, vector<2048x8xf32>
    %reduce_max3A_172 = arith.constant dense<0xFF800000> : vector<2048xf32>
    %reduce_max3A_173 = vector.multi_reduction <maximumf>, %select_n3A_171, %reduce_max3A_172 [1] : vector<2048x8xf32> to vector<2048xf32>
    %broadcast_in_dim3A_174 = vector.shape_cast %reduce_max3A_173 : vector<2048xf32> to vector<2048x1xf32>
    %add3A_175 = arith.addf %broadcast_in_dim3A_158, %broadcast_in_dim3A_174 : vector<2048x1xf32>
    %concatenate3A = tpu.concatenate %add3A_28, %add3A_49, %add3A_70, %add3A_91, %add3A_112, %add3A_133, %add3A_154, %add3A_175 in 1 : vector<2048x1xf32>, vector<2048x1xf32>, vector<2048x1xf32>, vector<2048x1xf32>, vector<2048x1xf32>, vector<2048x1xf32>, vector<2048x1xf32>, vector<2048x1xf32> -> vector<2048x8xf32>
    %broadcast_in_dim3A_176 = arith.constant 0.000000e+00 : f32
    %broadcast_in_dim3A_177 = vector.broadcast %broadcast_in_dim3A_176 : f32 to vector<2048x8xf32>
    %reduce_max3A_178 = arith.constant dense<0xFF800000> : vector<2048xf32>
    %reduce_max3A_179 = vector.multi_reduction <maximumf>, %concatenate3A, %reduce_max3A_178 [1] : vector<2048x8xf32> to vector<2048xf32>
    %broadcast_in_dim3A_180 = vector.shape_cast %reduce_max3A_179 : vector<2048xf32> to vector<2048x1xf32>
    %eq3A_181 = vector.broadcast %broadcast_in_dim3A_180 : vector<2048x1xf32> to vector<2048x8xf32>
    %eq3A_182 = arith.cmpf oeq, %concatenate3A, %eq3A_181 : vector<2048x8xf32>
    %jit3A_183 = arith.constant 8 : i32
    %broadcast_in_dim3A_184 = vector.broadcast %jit3A_183 : i32 to vector<2048x8xi32>
    %select_n3A_185 = arith.select %eq3A_182, %iota3A, %broadcast_in_dim3A_184 : vector<2048x8xi1>, vector<2048x8xi32>
    %reduce_min3A_186 = arith.constant dense<2147483647> : vector<2048xi32>
    %reduce_min3A_187 = vector.multi_reduction <minsi>, %select_n3A_185, %reduce_min3A_186 [1] : vector<2048x8xi32> to vector<2048xi32>
    %broadcast_in_dim3A_188 = vector.shape_cast %reduce_min3A_187 : vector<2048xi32> to vector<2048x1xi32>
    %eq3A_189 = vector.broadcast %broadcast_in_dim3A_188 : vector<2048x1xi32> to vector<2048x8xi32>
    %eq3A_190 = arith.cmpi eq, %iota3A, %eq3A_189 : vector<2048x8xi32>
    %convert_element_type3A = arith.extui %eq3A_190 : vector<2048x8xi1> to vector<2048x8xi32>
    %convert_element_type3A_191 = arith.sitofp %convert_element_type3A : vector<2048x8xi32> to vector<2048x8xf32>
    %add3A_192 = arith.addf %broadcast_in_dim3A_177, %convert_element_type3A_191 : vector<2048x8xf32>
    %jit3A_193 = arith.constant 0xFF800000 : f32
    %broadcast_in_dim3A_194 = vector.broadcast %jit3A_193 : f32 to vector<2048x8xf32>
    %select_n3A_195 = arith.select %eq3A_190, %broadcast_in_dim3A_194, %concatenate3A : vector<2048x8xi1>, vector<2048x8xf32>
    %reduce_max3A_196 = arith.constant dense<0xFF800000> : vector<2048xf32>
    %reduce_max3A_197 = vector.multi_reduction <maximumf>, %select_n3A_195, %reduce_max3A_196 [1] : vector<2048x8xf32> to vector<2048xf32>
    %broadcast_in_dim3A_198 = vector.shape_cast %reduce_max3A_197 : vector<2048xf32> to vector<2048x1xf32>
    %eq3A_199 = vector.broadcast %broadcast_in_dim3A_198 : vector<2048x1xf32> to vector<2048x8xf32>
    %eq3A_200 = arith.cmpf oeq, %select_n3A_195, %eq3A_199 : vector<2048x8xf32>
    %jit3A_201 = arith.constant 8 : i32
    %broadcast_in_dim3A_202 = vector.broadcast %jit3A_201 : i32 to vector<2048x8xi32>
    %select_n3A_203 = arith.select %eq3A_200, %iota3A, %broadcast_in_dim3A_202 : vector<2048x8xi1>, vector<2048x8xi32>
    %reduce_min3A_204 = arith.constant dense<2147483647> : vector<2048xi32>
    %reduce_min3A_205 = vector.multi_reduction <minsi>, %select_n3A_203, %reduce_min3A_204 [1] : vector<2048x8xi32> to vector<2048xi32>
    %broadcast_in_dim3A_206 = vector.shape_cast %reduce_min3A_205 : vector<2048xi32> to vector<2048x1xi32>
    %eq3A_207 = vector.broadcast %broadcast_in_dim3A_206 : vector<2048x1xi32> to vector<2048x8xi32>
    %eq3A_208 = arith.cmpi eq, %iota3A, %eq3A_207 : vector<2048x8xi32>
    %convert_element_type3A_209 = arith.extui %eq3A_208 : vector<2048x8xi1> to vector<2048x8xi32>
    %convert_element_type3A_210 = arith.sitofp %convert_element_type3A_209 : vector<2048x8xi32> to vector<2048x8xf32>
    %add3A_211 = arith.addf %add3A_192, %convert_element_type3A_210 : vector<2048x8xf32>
    %jit3A_212 = arith.constant 0xFF800000 : f32
    %broadcast_in_dim3A_213 = vector.broadcast %jit3A_212 : f32 to vector<2048x8xf32>
    %select_n3A_214 = arith.select %eq3A_208, %broadcast_in_dim3A_213, %select_n3A_195 : vector<2048x8xi1>, vector<2048x8xf32>
    %reduce_max3A_215 = arith.constant dense<0xFF800000> : vector<2048xf32>
    %reduce_max3A_216 = vector.multi_reduction <maximumf>, %select_n3A_214, %reduce_max3A_215 [1] : vector<2048x8xf32> to vector<2048xf32>
    %broadcast_in_dim3A_217 = vector.shape_cast %reduce_max3A_216 : vector<2048xf32> to vector<2048x1xf32>
    %eq3A_218 = vector.broadcast %broadcast_in_dim3A_217 : vector<2048x1xf32> to vector<2048x8xf32>
    %eq3A_219 = arith.cmpf oeq, %select_n3A_214, %eq3A_218 : vector<2048x8xf32>
    %jit3A_220 = arith.constant 8 : i32
    %broadcast_in_dim3A_221 = vector.broadcast %jit3A_220 : i32 to vector<2048x8xi32>
    %select_n3A_222 = arith.select %eq3A_219, %iota3A, %broadcast_in_dim3A_221 : vector<2048x8xi1>, vector<2048x8xi32>
    %reduce_min3A_223 = arith.constant dense<2147483647> : vector<2048xi32>
    %reduce_min3A_224 = vector.multi_reduction <minsi>, %select_n3A_222, %reduce_min3A_223 [1] : vector<2048x8xi32> to vector<2048xi32>
    %broadcast_in_dim3A_225 = vector.shape_cast %reduce_min3A_224 : vector<2048xi32> to vector<2048x1xi32>
    %eq3A_226 = vector.broadcast %broadcast_in_dim3A_225 : vector<2048x1xi32> to vector<2048x8xi32>
    %eq3A_227 = arith.cmpi eq, %iota3A, %eq3A_226 : vector<2048x8xi32>
    %convert_element_type3A_228 = arith.extui %eq3A_227 : vector<2048x8xi1> to vector<2048x8xi32>
    %convert_element_type3A_229 = arith.sitofp %convert_element_type3A_228 : vector<2048x8xi32> to vector<2048x8xf32>
    %add3A_230 = arith.addf %add3A_211, %convert_element_type3A_229 : vector<2048x8xf32>
    %jit3A_231 = arith.constant 0xFF800000 : f32
    %broadcast_in_dim3A_232 = vector.broadcast %jit3A_231 : f32 to vector<2048x8xf32>
    %select_n3A_233 = arith.select %eq3A_227, %broadcast_in_dim3A_232, %select_n3A_214 : vector<2048x8xi1>, vector<2048x8xf32>
    %reduce_max3A_234 = arith.constant dense<0xFF800000> : vector<2048xf32>
    %reduce_max3A_235 = vector.multi_reduction <maximumf>, %select_n3A_233, %reduce_max3A_234 [1] : vector<2048x8xf32> to vector<2048xf32>
    %broadcast_in_dim3A_236 = vector.shape_cast %reduce_max3A_235 : vector<2048xf32> to vector<2048x1xf32>
    %eq3A_237 = vector.broadcast %broadcast_in_dim3A_236 : vector<2048x1xf32> to vector<2048x8xf32>
    %eq3A_238 = arith.cmpf oeq, %select_n3A_233, %eq3A_237 : vector<2048x8xf32>
    %jit3A_239 = arith.constant 8 : i32
    %broadcast_in_dim3A_240 = vector.broadcast %jit3A_239 : i32 to vector<2048x8xi32>
    %select_n3A_241 = arith.select %eq3A_238, %iota3A, %broadcast_in_dim3A_240 : vector<2048x8xi1>, vector<2048x8xi32>
    %reduce_min3A_242 = arith.constant dense<2147483647> : vector<2048xi32>
    %reduce_min3A_243 = vector.multi_reduction <minsi>, %select_n3A_241, %reduce_min3A_242 [1] : vector<2048x8xi32> to vector<2048xi32>
    %broadcast_in_dim3A_244 = vector.shape_cast %reduce_min3A_243 : vector<2048xi32> to vector<2048x1xi32>
    %eq3A_245 = vector.broadcast %broadcast_in_dim3A_244 : vector<2048x1xi32> to vector<2048x8xi32>
    %eq3A_246 = arith.cmpi eq, %iota3A, %eq3A_245 : vector<2048x8xi32>
    %convert_element_type3A_247 = arith.extui %eq3A_246 : vector<2048x8xi1> to vector<2048x8xi32>
    %convert_element_type3A_248 = arith.sitofp %convert_element_type3A_247 : vector<2048x8xi32> to vector<2048x8xf32>
    %add3A_249 = arith.addf %add3A_230, %convert_element_type3A_248 : vector<2048x8xf32>
    %iota3A_250 = tpu.iota {dimensions = array<i32: 0>} : vector<8x64xi32>
    %iota3A_251 = tpu.iota {dimensions = array<i32: 1>} : vector<8x64xi32>
    %jit3A_252 = arith.constant 8 : i32
    %div3A = vector.broadcast %jit3A_252 : i32 to vector<8x64xi32>
    %div3A_253 = arith.divsi %iota3A_251, %div3A : vector<8x64xi32>
    %sign3A = arith.constant 0 : i32
    %sign3A_254 = vector.broadcast %sign3A : i32 to vector<8x64xi32>
    %sign3A_255 = arith.cmpi sgt, %iota3A_251, %sign3A_254 : vector<8x64xi32>
    %sign3A_256 = arith.extui %sign3A_255 : vector<8x64xi1> to vector<8x64xi32>
    %sign3A_257 = arith.constant 0 : i32
    %sign3A_258 = vector.broadcast %sign3A_257 : i32 to vector<8x64xi32>
    %sign3A_259 = arith.cmpi slt, %iota3A_251, %sign3A_258 : vector<8x64xi32>
    %sign3A_260 = arith.extui %sign3A_259 : vector<8x64xi1> to vector<8x64xi32>
    %sign3A_261 = arith.subi %sign3A_256, %sign3A_260 : vector<8x64xi32>
    %sign3A_262 = arith.constant 0 : i32
    %sign3A_263 = arith.cmpi sgt, %jit3A_252, %sign3A_262 : i32
    %sign3A_264 = arith.extui %sign3A_263 : i1 to i32
    %sign3A_265 = arith.constant 0 : i32
    %sign3A_266 = arith.cmpi slt, %jit3A_252, %sign3A_265 : i32
    %sign3A_267 = arith.extui %sign3A_266 : i1 to i32
    %sign3A_268 = arith.subi %sign3A_264, %sign3A_267 : i32
    %ne3A = vector.broadcast %sign3A_268 : i32 to vector<8x64xi32>
    %ne3A_269 = arith.cmpi ne, %sign3A_261, %ne3A : vector<8x64xi32>
    %rem3A = vector.broadcast %jit3A_252 : i32 to vector<8x64xi32>
    %rem3A_270 = arith.remsi %iota3A_251, %rem3A : vector<8x64xi32>
    %ne3A_271 = arith.constant 0 : i32
    %ne3A_272 = vector.broadcast %ne3A_271 : i32 to vector<8x64xi32>
    %ne3A_273 = arith.cmpi ne, %rem3A_270, %ne3A_272 : vector<8x64xi32>
    %and3A = arith.andi %ne3A_269, %ne3A_273 : vector<8x64xi1>
    %sub3A = arith.constant 1 : i32
    %sub3A_274 = vector.broadcast %sub3A : i32 to vector<8x64xi32>
    %sub3A_275 = arith.subi %div3A_253, %sub3A_274 : vector<8x64xi32>
    %select_n3A_276 = arith.select %and3A, %sub3A_275, %div3A_253 : vector<8x64xi1>, vector<8x64xi32>
    %eq3A_277 = arith.cmpi eq, %iota3A_250, %select_n3A_276 : vector<8x64xi32>
    %convert_element_type3A_278 = arith.extui %eq3A_277 : vector<8x64xi1> to vector<8x64xi32>
    %convert_element_type3A_279 = arith.sitofp %convert_element_type3A_278 : vector<8x64xi32> to vector<8x64xf32>
    %dot_general3A_280 = arith.constant dense<0.000000e+00> : vector<2048x64xf32>
    %dot_general3A_281 = tpu.matmul %add3A_249, %convert_element_type3A_279, %dot_general3A_280 {dimension_numbers = #tpu.dot_dimension_numbers<[1], [0], [0], [1], [0, 0, 1, 1], [], []>, transpose_lhs_hint = false} : vector<2048x8xf32>, vector<8x64xf32>, vector<2048x64xf32> -> vector<2048x64xf32>
    %iota3A_282 = tpu.iota {dimensions = array<i32: 1>} : vector<2048x64xi32>
    %gt3A = arith.constant 0.000000e+00 : f32
    %gt3A_283 = vector.broadcast %gt3A : f32 to vector<2048x64xf32>
    %gt3A_284 = arith.cmpf ogt, %dot_general3A_281, %gt3A_283 : vector<2048x64xf32>
    %jit3A_285 = arith.constant 0xFF800000 : f32
    %broadcast_in_dim3A_286 = vector.broadcast %jit3A_285 : f32 to vector<2048x64xf32>
    %select_n3A_287 = arith.select %gt3A_284, %add3A_14, %broadcast_in_dim3A_286 : vector<2048x64xi1>, vector<2048x64xf32>
    %reduce_max3A_288 = arith.constant dense<0xFF800000> : vector<2048xf32>
    %reduce_max3A_289 = vector.multi_reduction <maximumf>, %select_n3A_287, %reduce_max3A_288 [1] : vector<2048x64xf32> to vector<2048xf32>
    %broadcast_in_dim3A_290 = vector.shape_cast %reduce_max3A_289 : vector<2048xf32> to vector<2048x1xf32>
    %eq3A_291 = vector.broadcast %broadcast_in_dim3A_290 : vector<2048x1xf32> to vector<2048x64xf32>
    %eq3A_292 = arith.cmpf oeq, %select_n3A_287, %eq3A_291 : vector<2048x64xf32>
    %jit3A_293 = arith.constant 64 : i32
    %broadcast_in_dim3A_294 = vector.broadcast %jit3A_293 : i32 to vector<2048x64xi32>
    %select_n3A_295 = arith.select %eq3A_292, %iota3A_282, %broadcast_in_dim3A_294 : vector<2048x64xi1>, vector<2048x64xi32>
    %reduce_min3A_296 = arith.constant dense<2147483647> : vector<2048xi32>
    %reduce_min3A_297 = vector.multi_reduction <minsi>, %select_n3A_295, %reduce_min3A_296 [1] : vector<2048x64xi32> to vector<2048xi32>
    %broadcast_in_dim3A_298 = vector.shape_cast %reduce_min3A_297 : vector<2048xi32> to vector<2048x1xi32>
    %eq3A_299 = vector.broadcast %broadcast_in_dim3A_298 : vector<2048x1xi32> to vector<2048x64xi32>
    %eq3A_300 = arith.cmpi eq, %iota3A_282, %eq3A_299 : vector<2048x64xi32>
    %convert_element_type3A_301 = arith.extui %eq3A_300 : vector<2048x64xi1> to vector<2048x64xi32>
    %convert_element_type3A_302 = arith.sitofp %convert_element_type3A_301 : vector<2048x64xi32> to vector<2048x64xf32>
    %mul3A = arith.mulf %convert_element_type3A_302, %logistic3A_13 : vector<2048x64xf32>
    %reduce_sum3A = arith.constant dense<0.000000e+00> : vector<2048xf32>
    %reduce_sum3A_303 = vector.multi_reduction <add>, %mul3A, %reduce_sum3A [1] : vector<2048x64xf32> to vector<2048xf32>
    %broadcast_in_dim3A_304 = vector.shape_cast %reduce_sum3A_303 : vector<2048xf32> to vector<2048x1xf32>
    %gt3A_305 = arith.constant 0.000000e+00 : f32
    %gt3A_306 = vector.broadcast %gt3A_305 : f32 to vector<2048x64xf32>
    %gt3A_307 = arith.cmpf ogt, %convert_element_type3A_302, %gt3A_306 : vector<2048x64xf32>
    %jit3A_308 = arith.constant 0xFF800000 : f32
    %broadcast_in_dim3A_309 = vector.broadcast %jit3A_308 : f32 to vector<2048x64xf32>
    %select_n3A_310 = arith.select %gt3A_307, %broadcast_in_dim3A_309, %select_n3A_287 : vector<2048x64xi1>, vector<2048x64xf32>
    %reduce_max3A_311 = arith.constant dense<0xFF800000> : vector<2048xf32>
    %reduce_max3A_312 = vector.multi_reduction <maximumf>, %select_n3A_310, %reduce_max3A_311 [1] : vector<2048x64xf32> to vector<2048xf32>
    %broadcast_in_dim3A_313 = vector.shape_cast %reduce_max3A_312 : vector<2048xf32> to vector<2048x1xf32>
    %eq3A_314 = vector.broadcast %broadcast_in_dim3A_313 : vector<2048x1xf32> to vector<2048x64xf32>
    %eq3A_315 = arith.cmpf oeq, %select_n3A_310, %eq3A_314 : vector<2048x64xf32>
    %jit3A_316 = arith.constant 64 : i32
    %broadcast_in_dim3A_317 = vector.broadcast %jit3A_316 : i32 to vector<2048x64xi32>
    %select_n3A_318 = arith.select %eq3A_315, %iota3A_282, %broadcast_in_dim3A_317 : vector<2048x64xi1>, vector<2048x64xi32>
    %reduce_min3A_319 = arith.constant dense<2147483647> : vector<2048xi32>
    %reduce_min3A_320 = vector.multi_reduction <minsi>, %select_n3A_318, %reduce_min3A_319 [1] : vector<2048x64xi32> to vector<2048xi32>
    %broadcast_in_dim3A_321 = vector.shape_cast %reduce_min3A_320 : vector<2048xi32> to vector<2048x1xi32>
    %eq3A_322 = vector.broadcast %broadcast_in_dim3A_321 : vector<2048x1xi32> to vector<2048x64xi32>
    %eq3A_323 = arith.cmpi eq, %iota3A_282, %eq3A_322 : vector<2048x64xi32>
    %convert_element_type3A_324 = arith.extui %eq3A_323 : vector<2048x64xi1> to vector<2048x64xi32>
    %convert_element_type3A_325 = arith.sitofp %convert_element_type3A_324 : vector<2048x64xi32> to vector<2048x64xf32>
    %mul3A_326 = arith.mulf %convert_element_type3A_325, %logistic3A_13 : vector<2048x64xf32>
    %reduce_sum3A_327 = arith.constant dense<0.000000e+00> : vector<2048xf32>
    %reduce_sum3A_328 = vector.multi_reduction <add>, %mul3A_326, %reduce_sum3A_327 [1] : vector<2048x64xf32> to vector<2048xf32>
    %broadcast_in_dim3A_329 = vector.shape_cast %reduce_sum3A_328 : vector<2048xf32> to vector<2048x1xf32>
    %add3A_330 = arith.addf %broadcast_in_dim3A_304, %broadcast_in_dim3A_329 : vector<2048x1xf32>
    %add3A_331 = arith.constant 9.99999968E-21 : f32
    %add3A_332 = vector.broadcast %add3A_331 : f32 to vector<2048x1xf32>
    %add3A_333 = arith.addf %add3A_330, %add3A_332 : vector<2048x1xf32>
    %div3A_334 = arith.divf %broadcast_in_dim3A_304, %add3A_333 : vector<2048x1xf32>
    %mul3A_335 = arith.constant 2.500000e+00 : f32
    %mul3A_336 = vector.broadcast %mul3A_335 : f32 to vector<2048x1xf32>
    %mul3A_337 = arith.mulf %div3A_334, %mul3A_336 : vector<2048x1xf32>
    %div3A_338 = arith.divf %broadcast_in_dim3A_329, %add3A_333 : vector<2048x1xf32>
    %mul3A_339 = arith.constant 2.500000e+00 : f32
    %mul3A_340 = vector.broadcast %mul3A_339 : f32 to vector<2048x1xf32>
    %mul3A_341 = arith.mulf %div3A_338, %mul3A_340 : vector<2048x1xf32>
    %concatenate3A_342 = tpu.concatenate %mul3A_337, %mul3A_341 in 1 : vector<2048x1xf32>, vector<2048x1xf32> -> vector<2048x2xf32>
    %swap3A = arith.constant 0 : index
    %swap3A_343 = arith.constant 0 : index
    %swap3A_344 = vector.load %arg3[%swap3A, %swap3A_343] : memref<2048x2xf32, #tpu.memory_space<vmem>>, vector<2048x2xf32>
    tpu.vector_store %arg3[%swap3A, %swap3A_343], %concatenate3A_342 {strides = array<i32>} : memref<2048x2xf32, #tpu.memory_space<vmem>>, vector<2048x2xf32>,
    %add3A_345 = arith.addf %convert_element_type3A_302, %convert_element_type3A_325 : vector<2048x64xf32>
    %reduce_sum3A_346 = arith.constant dense<0.000000e+00> : vector<64xf32>
    %reduce_sum3A_347 = vector.multi_reduction <add>, %add3A_345, %reduce_sum3A_346 [0] : vector<2048x64xf32> to vector<64xf32>
    %broadcast_in_dim3A_348 = vector.shape_cast %reduce_sum3A_347 : vector<64xf32> to vector<1x64xf32>
    %add3A_349 = arith.constant 1.270000e+02 : f32
    %add3A_350 = vector.broadcast %add3A_349 : f32 to vector<1x64xf32>
    %add3A_351 = arith.addf %broadcast_in_dim3A_348, %add3A_350 : vector<1x64xf32>
    %mul3A_352 = arith.constant 7.812500e-03 : f32
    %mul3A_353 = vector.broadcast %mul3A_352 : f32 to vector<1x64xf32>
    %mul3A_354 = arith.mulf %add3A_351, %mul3A_353 : vector<1x64xf32>
    %floor3A = math.floor %mul3A_354 : vector<1x64xf32>
    %iota3A_355 = tpu.iota {dimensions = array<i32: 0>} : vector<64x64xi32>
    %iota3A_356 = tpu.iota {dimensions = array<i32: 1>} : vector<64x64xi32>
    %lt3A = arith.cmpi slt, %iota3A_355, %iota3A_356 : vector<64x64xi32>
    %convert_element_type3A_357 = arith.extui %lt3A : vector<64x64xi1> to vector<64x64xi32>
    %convert_element_type3A_358 = arith.sitofp %convert_element_type3A_357 : vector<64x64xi32> to vector<64x64xf32>
    %dot_general3A_359 = arith.constant dense<0.000000e+00> : vector<1x64xf32>
    %dot_general3A_360 = tpu.matmul %floor3A, %convert_element_type3A_358, %dot_general3A_359 {dimension_numbers = #tpu.dot_dimension_numbers<[1], [0], [0], [1], [0, 0, 1, 1], [], []>, transpose_lhs_hint = false} : vector<1x64xf32>, vector<64x64xf32>, vector<1x64xf32> -> vector<1x64xf32>
    %convert_element_type3A_361 = arith.fptosi %dot_general3A_360 : vector<1x64xf32> to vector<1x64xi32>
    %iota3A_362 = tpu.iota {dimensions = array<i32: 0>} : vector<97x64xi32>
    %broadcast_in_dim3A_363 = vector.shape_cast %convert_element_type3A_361 : vector<1x64xi32> to vector<1x64xi32>
    %broadcast_in_dim3A_364 = vector.broadcast %broadcast_in_dim3A_363 : vector<1x64xi32> to vector<97x64xi32>
    %le3A = arith.cmpi sle, %broadcast_in_dim3A_364, %iota3A_362 : vector<97x64xi32>
    %convert_element_type3A_365 = arith.extui %le3A : vector<97x64xi1> to vector<97x64xi32>
    %reduce_sum3A_366 = arith.constant dense<0> : vector<97xi32>
    %reduce_sum3A_367 = vector.multi_reduction <add>, %convert_element_type3A_365, %reduce_sum3A_366 [1] : vector<97x64xi32> to vector<97xi32>
    %broadcast_in_dim3A_368 = vector.shape_cast %reduce_sum3A_367 : vector<97xi32> to vector<97x1xi32>
    %sub3A_369 = arith.constant 1 : i32
    %sub3A_370 = vector.broadcast %sub3A_369 : i32 to vector<97x1xi32>
    %sub3A_371 = arith.subi %broadcast_in_dim3A_368, %sub3A_370 : vector<97x1xi32>
    %reduce_sum3A_372 = arith.constant dense<0.000000e+00> : vector<1xf32>
    %reduce_sum3A_373 = vector.multi_reduction <add>, %floor3A, %reduce_sum3A_372 [1] : vector<1x64xf32> to vector<1xf32>
    %broadcast_in_dim3A_374 = vector.shape_cast %reduce_sum3A_373 : vector<1xf32> to vector<1x1xf32>
    %convert_element_type3A_375 = arith.fptosi %broadcast_in_dim3A_374 : vector<1x1xf32> to vector<1x1xi32>
    %slice3A_376 = vector.extract_strided_slice %sub3A_371 {offsets = [0, 0], sizes = [96, 1], strides = [1, 1]} : vector<97x1xi32> to vector<96x1xi32>
    %concatenate3A_377 = tpu.concatenate %slice3A_376, %convert_element_type3A_375 in 0 : vector<96x1xi32>, vector<1x1xi32> -> vector<97x1xi32>
    %swap3A_378 = arith.constant 0 : index
    %swap3A_379 = arith.constant 0 : index
    %swap3A_380 = vector.load %arg5[%swap3A_378, %swap3A_379] : memref<97x1xi32, #tpu.memory_space<vmem>>, vector<97x1xi32>
    tpu.vector_store %arg5[%swap3A_378, %swap3A_379], %concatenate3A_377 {strides = array<i32>} : memref<97x1xi32, #tpu.memory_space<vmem>>, vector<97x1xi32>,
    %iota3A_381 = tpu.iota {dimensions = array<i32: 0>} : vector<256x256xi32>
    %iota3A_382 = tpu.iota {dimensions = array<i32: 1>} : vector<256x256xi32>
    %lt3A_383 = arith.cmpi slt, %iota3A_382, %iota3A_381 : vector<256x256xi32>
    %convert_element_type3A_384 = arith.extui %lt3A_383 : vector<256x256xi1> to vector<256x256xi32>
    %convert_element_type3A_385 = arith.sitofp %convert_element_type3A_384 : vector<256x256xi32> to vector<256x256xf32>
    %broadcast_in_dim3A_386 = arith.constant 0.000000e+00 : f32
    %broadcast_in_dim3A_387 = vector.broadcast %broadcast_in_dim3A_386 : f32 to vector<1x64xf32>
    %slice3A_388 = vector.extract_strided_slice %add3A_345 {offsets = [0, 0], sizes = [256, 64], strides = [1, 1]} : vector<2048x64xf32> to vector<256x64xf32>
    %dot_general3A_389 = arith.constant dense<0.000000e+00> : vector<256x64xf32>
    %dot_general3A_390 = tpu.matmul %convert_element_type3A_385, %slice3A_388, %dot_general3A_389 {dimension_numbers = #tpu.dot_dimension_numbers<[1], [0], [0], [1], [0, 0, 1, 1], [], []>, transpose_lhs_hint = false} : vector<256x256xf32>, vector<256x64xf32>, vector<256x64xf32> -> vector<256x64xf32>
    %add3A_391 = vector.broadcast %broadcast_in_dim3A_387 : vector<1x64xf32> to vector<256x64xf32>
    %add3A_392 = arith.addf %dot_general3A_390, %add3A_391 : vector<256x64xf32>
    %reduce_sum3A_393 = arith.constant dense<0.000000e+00> : vector<64xf32>
    %reduce_sum3A_394 = vector.multi_reduction <add>, %slice3A_388, %reduce_sum3A_393 [0] : vector<256x64xf32> to vector<64xf32>
    %broadcast_in_dim3A_395 = vector.shape_cast %reduce_sum3A_394 : vector<64xf32> to vector<1x64xf32>
    %add3A_396 = arith.addf %broadcast_in_dim3A_387, %broadcast_in_dim3A_395 : vector<1x64xf32>
    %slice3A_397 = vector.extract_strided_slice %add3A_345 {offsets = [256, 0], sizes = [256, 64], strides = [1, 1]} : vector<2048x64xf32> to vector<256x64xf32>
    %dot_general3A_398 = arith.constant dense<0.000000e+00> : vector<256x64xf32>
    %dot_general3A_399 = tpu.matmul %convert_element_type3A_385, %slice3A_397, %dot_general3A_398 {dimension_numbers = #tpu.dot_dimension_numbers<[1], [0], [0], [1], [0, 0, 1, 1], [], []>, transpose_lhs_hint = false} : vector<256x256xf32>, vector<256x64xf32>, vector<256x64xf32> -> vector<256x64xf32>
    %add3A_400 = vector.broadcast %add3A_396 : vector<1x64xf32> to vector<256x64xf32>
    %add3A_401 = arith.addf %dot_general3A_399, %add3A_400 : vector<256x64xf32>
    %reduce_sum3A_402 = arith.constant dense<0.000000e+00> : vector<64xf32>
    %reduce_sum3A_403 = vector.multi_reduction <add>, %slice3A_397, %reduce_sum3A_402 [0] : vector<256x64xf32> to vector<64xf32>
    %broadcast_in_dim3A_404 = vector.shape_cast %reduce_sum3A_403 : vector<64xf32> to vector<1x64xf32>
    %add3A_405 = arith.addf %add3A_396, %broadcast_in_dim3A_404 : vector<1x64xf32>
    %slice3A_406 = vector.extract_strided_slice %add3A_345 {offsets = [512, 0], sizes = [256, 64], strides = [1, 1]} : vector<2048x64xf32> to vector<256x64xf32>
    %dot_general3A_407 = arith.constant dense<0.000000e+00> : vector<256x64xf32>
    %dot_general3A_408 = tpu.matmul %convert_element_type3A_385, %slice3A_406, %dot_general3A_407 {dimension_numbers = #tpu.dot_dimension_numbers<[1], [0], [0], [1], [0, 0, 1, 1], [], []>, transpose_lhs_hint = false} : vector<256x256xf32>, vector<256x64xf32>, vector<256x64xf32> -> vector<256x64xf32>
    %add3A_409 = vector.broadcast %add3A_405 : vector<1x64xf32> to vector<256x64xf32>
    %add3A_410 = arith.addf %dot_general3A_408, %add3A_409 : vector<256x64xf32>
    %reduce_sum3A_411 = arith.constant dense<0.000000e+00> : vector<64xf32>
    %reduce_sum3A_412 = vector.multi_reduction <add>, %slice3A_406, %reduce_sum3A_411 [0] : vector<256x64xf32> to vector<64xf32>
    %broadcast_in_dim3A_413 = vector.shape_cast %reduce_sum3A_412 : vector<64xf32> to vector<1x64xf32>
    %add3A_414 = arith.addf %add3A_405, %broadcast_in_dim3A_413 : vector<1x64xf32>
    %slice3A_415 = vector.extract_strided_slice %add3A_345 {offsets = [768, 0], sizes = [256, 64], strides = [1, 1]} : vector<2048x64xf32> to vector<256x64xf32>
    %dot_general3A_416 = arith.constant dense<0.000000e+00> : vector<256x64xf32>
    %dot_general3A_417 = tpu.matmul %convert_element_type3A_385, %slice3A_415, %dot_general3A_416 {dimension_numbers = #tpu.dot_dimension_numbers<[1], [0], [0], [1], [0, 0, 1, 1], [], []>, transpose_lhs_hint = false} : vector<256x256xf32>, vector<256x64xf32>, vector<256x64xf32> -> vector<256x64xf32>
    %add3A_418 = vector.broadcast %add3A_414 : vector<1x64xf32> to vector<256x64xf32>
    %add3A_419 = arith.addf %dot_general3A_417, %add3A_418 : vector<256x64xf32>
    %reduce_sum3A_420 = arith.constant dense<0.000000e+00> : vector<64xf32>
    %reduce_sum3A_421 = vector.multi_reduction <add>, %slice3A_415, %reduce_sum3A_420 [0] : vector<256x64xf32> to vector<64xf32>
    %broadcast_in_dim3A_422 = vector.shape_cast %reduce_sum3A_421 : vector<64xf32> to vector<1x64xf32>
    %add3A_423 = arith.addf %add3A_414, %broadcast_in_dim3A_422 : vector<1x64xf32>
    %slice3A_424 = vector.extract_strided_slice %add3A_345 {offsets = [1024, 0], sizes = [256, 64], strides = [1, 1]} : vector<2048x64xf32> to vector<256x64xf32>
    %dot_general3A_425 = arith.constant dense<0.000000e+00> : vector<256x64xf32>
    %dot_general3A_426 = tpu.matmul %convert_element_type3A_385, %slice3A_424, %dot_general3A_425 {dimension_numbers = #tpu.dot_dimension_numbers<[1], [0], [0], [1], [0, 0, 1, 1], [], []>, transpose_lhs_hint = false} : vector<256x256xf32>, vector<256x64xf32>, vector<256x64xf32> -> vector<256x64xf32>
    %add3A_427 = vector.broadcast %add3A_423 : vector<1x64xf32> to vector<256x64xf32>
    %add3A_428 = arith.addf %dot_general3A_426, %add3A_427 : vector<256x64xf32>
    %reduce_sum3A_429 = arith.constant dense<0.000000e+00> : vector<64xf32>
    %reduce_sum3A_430 = vector.multi_reduction <add>, %slice3A_424, %reduce_sum3A_429 [0] : vector<256x64xf32> to vector<64xf32>
    %broadcast_in_dim3A_431 = vector.shape_cast %reduce_sum3A_430 : vector<64xf32> to vector<1x64xf32>
    %add3A_432 = arith.addf %add3A_423, %broadcast_in_dim3A_431 : vector<1x64xf32>
    %slice3A_433 = vector.extract_strided_slice %add3A_345 {offsets = [1280, 0], sizes = [256, 64], strides = [1, 1]} : vector<2048x64xf32> to vector<256x64xf32>
    %dot_general3A_434 = arith.constant dense<0.000000e+00> : vector<256x64xf32>
    %dot_general3A_435 = tpu.matmul %convert_element_type3A_385, %slice3A_433, %dot_general3A_434 {dimension_numbers = #tpu.dot_dimension_numbers<[1], [0], [0], [1], [0, 0, 1, 1], [], []>, transpose_lhs_hint = false} : vector<256x256xf32>, vector<256x64xf32>, vector<256x64xf32> -> vector<256x64xf32>
    %add3A_436 = vector.broadcast %add3A_432 : vector<1x64xf32> to vector<256x64xf32>
    %add3A_437 = arith.addf %dot_general3A_435, %add3A_436 : vector<256x64xf32>
    %reduce_sum3A_438 = arith.constant dense<0.000000e+00> : vector<64xf32>
    %reduce_sum3A_439 = vector.multi_reduction <add>, %slice3A_433, %reduce_sum3A_438 [0] : vector<256x64xf32> to vector<64xf32>
    %broadcast_in_dim3A_440 = vector.shape_cast %reduce_sum3A_439 : vector<64xf32> to vector<1x64xf32>
    %add3A_441 = arith.addf %add3A_432, %broadcast_in_dim3A_440 : vector<1x64xf32>
    %slice3A_442 = vector.extract_strided_slice %add3A_345 {offsets = [1536, 0], sizes = [256, 64], strides = [1, 1]} : vector<2048x64xf32> to vector<256x64xf32>
    %dot_general3A_443 = arith.constant dense<0.000000e+00> : vector<256x64xf32>
    %dot_general3A_444 = tpu.matmul %convert_element_type3A_385, %slice3A_442, %dot_general3A_443 {dimension_numbers = #tpu.dot_dimension_numbers<[1], [0], [0], [1], [0, 0, 1, 1], [], []>, transpose_lhs_hint = false} : vector<256x256xf32>, vector<256x64xf32>, vector<256x64xf32> -> vector<256x64xf32>
    %add3A_445 = vector.broadcast %add3A_441 : vector<1x64xf32> to vector<256x64xf32>
    %add3A_446 = arith.addf %dot_general3A_444, %add3A_445 : vector<256x64xf32>
    %reduce_sum3A_447 = arith.constant dense<0.000000e+00> : vector<64xf32>
    %reduce_sum3A_448 = vector.multi_reduction <add>, %slice3A_442, %reduce_sum3A_447 [0] : vector<256x64xf32> to vector<64xf32>
    %broadcast_in_dim3A_449 = vector.shape_cast %reduce_sum3A_448 : vector<64xf32> to vector<1x64xf32>
    %add3A_450 = arith.addf %add3A_441, %broadcast_in_dim3A_449 : vector<1x64xf32>
    %slice3A_451 = vector.extract_strided_slice %add3A_345 {offsets = [1792, 0], sizes = [256, 64], strides = [1, 1]} : vector<2048x64xf32> to vector<256x64xf32>
    %dot_general3A_452 = arith.constant dense<0.000000e+00> : vector<256x64xf32>
    %dot_general3A_453 = tpu.matmul %convert_element_type3A_385, %slice3A_451, %dot_general3A_452 {dimension_numbers = #tpu.dot_dimension_numbers<[1], [0], [0], [1], [0, 0, 1, 1], [], []>, transpose_lhs_hint = false} : vector<256x256xf32>, vector<256x64xf32>, vector<256x64xf32> -> vector<256x64xf32>
    %add3A_454 = vector.broadcast %add3A_450 : vector<1x64xf32> to vector<256x64xf32>
    %add3A_455 = arith.addf %dot_general3A_453, %add3A_454 : vector<256x64xf32>
    %concatenate3A_456 = tpu.concatenate %add3A_392, %add3A_401, %add3A_410, %add3A_419, %add3A_428, %add3A_437, %add3A_446, %add3A_455 in 0 : vector<256x64xf32>, vector<256x64xf32>, vector<256x64xf32>, vector<256x64xf32>, vector<256x64xf32>, vector<256x64xf32>, vector<256x64xf32>, vector<256x64xf32> -> vector<2048x64xf32>
    %mul3A_457 = arith.constant 1.280000e+02 : f32
    %mul3A_458 = vector.broadcast %mul3A_457 : f32 to vector<1x64xf32>
    %mul3A_459 = arith.mulf %dot_general3A_360, %mul3A_458 : vector<1x64xf32>
    %add3A_460 = vector.broadcast %mul3A_459 : vector<1x64xf32> to vector<2048x64xf32>
    %add3A_461 = arith.addf %add3A_460, %concatenate3A_456 : vector<2048x64xf32>
    %mul3A_462 = arith.mulf %convert_element_type3A_302, %add3A_461 : vector<2048x64xf32>
    %reduce_sum3A_463 = arith.constant dense<0.000000e+00> : vector<2048xf32>
    %reduce_sum3A_464 = vector.multi_reduction <add>, %mul3A_462, %reduce_sum3A_463 [1] : vector<2048x64xf32> to vector<2048xf32>
    %broadcast_in_dim3A_465 = vector.shape_cast %reduce_sum3A_464 : vector<2048xf32> to vector<2048x1xf32>
    %mul3A_466 = arith.mulf %convert_element_type3A_325, %add3A_461 : vector<2048x64xf32>
    %reduce_sum3A_467 = arith.constant dense<0.000000e+00> : vector<2048xf32>
    %reduce_sum3A_468 = vector.multi_reduction <add>, %mul3A_466, %reduce_sum3A_467 [1] : vector<2048x64xf32> to vector<2048xf32>
    %broadcast_in_dim3A_469 = vector.shape_cast %reduce_sum3A_468 : vector<2048xf32> to vector<2048x1xf32>
    %concatenate3A_470 = tpu.concatenate %broadcast_in_dim3A_465, %broadcast_in_dim3A_469 in 1 : vector<2048x1xf32>, vector<2048x1xf32> -> vector<2048x2xf32>
    %convert_element_type3A_471 = arith.fptosi %concatenate3A_470 : vector<2048x2xf32> to vector<2048x2xi32>
    %swap3A_472 = arith.constant 0 : index
    %swap3A_473 = arith.constant 0 : index
    %swap3A_474 = vector.load %arg4[%swap3A_472, %swap3A_473] : memref<2048x2xi32, #tpu.memory_space<vmem>>, vector<2048x2xi32>
    tpu.vector_store %arg4[%swap3A_472, %swap3A_473], %convert_element_type3A_471 {strides = array<i32>} : memref<2048x2xi32, #tpu.memory_space<vmem>>, vector<2048x2xi32>,
    return
  }
}

module attributes {stable_mosaic.version = 14 : i64} {
  func.func @_moe_body(%arg0: i32, %arg1: memref<97xi32, #tpu.memory_space<smem>>, %arg2: memref<128x1024xf32, #tpu.memory_space<vmem>>, %arg3: memref<1x512x1024xf32, #tpu.memory_space<vmem>>, %arg4: memref<1x512x1024xf32, #tpu.memory_space<vmem>>, %arg5: memref<1x1024x512xf32, #tpu.memory_space<vmem>>, %arg6: memref<128x1024xf32, #tpu.memory_space<vmem>>) attributes {dimension_semantics = [#tpu.dimension_semantics<arbitrary>], iteration_bounds = array<i64: 96>, scalar_prefetch = 1 : i64, scratch_operands = 0 : i64, tpu.core_type = #tpu.core_type<tc>, window_params = [{transform_indices = @transform_0, window_bounds = array<i64: 128, 1024>}, {transform_indices = @transform_1, window_bounds = array<i64: 1, 512, 1024>}, {transform_indices = @transform_2, window_bounds = array<i64: 1, 512, 1024>}, {transform_indices = @transform_3, window_bounds = array<i64: 1, 1024, 512>}, {transform_indices = @transform_4, window_bounds = array<i64: 128, 1024>}]} {
    %get3A = arith.constant 96 : index
    %get3A_0 = memref.load %arg1[%get3A] : memref<97xi32, #tpu.memory_space<smem>>
    %lt3A = arith.cmpi slt, %arg0, %get3A_0 : i32
    %convert_element_type3A = arith.extui %lt3A : i1 to i32
    %cond3A = arith.constant 0 : i32
    %cond3A_1 = arith.cmpi ne, %convert_element_type3A, %cond3A : i32
    scf.if %cond3A_1 {
      %get3A_2 = arith.constant 0 : index
      %get3A_3 = arith.constant 0 : index
      %get3A_4 = vector.load %arg2[%get3A_2, %get3A_3] : memref<128x1024xf32, #tpu.memory_space<vmem>>, vector<128x1024xf32>
      %convert_element_type3A_5 = arith.truncf %get3A_4 : vector<128x1024xf32> to vector<128x1024xbf16>
      %get3A_6 = arith.constant 0 : index
      %get3A_7 = arith.constant 0 : index
      %get3A_8 = arith.constant 0 : index
      %get3A_9 = vector.load %arg3[%get3A_6, %get3A_7, %get3A_8] : memref<1x512x1024xf32, #tpu.memory_space<vmem>>, vector<1x512x1024xf32>
      %get3A_10 = vector.shape_cast %get3A_9 : vector<1x512x1024xf32> to vector<512x1024xf32>
      %convert_element_type3A_11 = arith.truncf %get3A_10 : vector<512x1024xf32> to vector<512x1024xbf16>
      %get3A_12 = arith.constant 0 : index
      %get3A_13 = arith.constant 0 : index
      %get3A_14 = arith.constant 0 : index
      %get3A_15 = vector.load %arg4[%get3A_12, %get3A_13, %get3A_14] : memref<1x512x1024xf32, #tpu.memory_space<vmem>>, vector<1x512x1024xf32>
      %get3A_16 = vector.shape_cast %get3A_15 : vector<1x512x1024xf32> to vector<512x1024xf32>
      %convert_element_type3A_17 = arith.truncf %get3A_16 : vector<512x1024xf32> to vector<512x1024xbf16>
      %get3A_18 = arith.constant 0 : index
      %get3A_19 = arith.constant 0 : index
      %get3A_20 = arith.constant 0 : index
      %get3A_21 = vector.load %arg5[%get3A_18, %get3A_19, %get3A_20] : memref<1x1024x512xf32, #tpu.memory_space<vmem>>, vector<1x1024x512xf32>
      %get3A_22 = vector.shape_cast %get3A_21 : vector<1x1024x512xf32> to vector<1024x512xf32>
      %convert_element_type3A_23 = arith.truncf %get3A_22 : vector<1024x512xf32> to vector<1024x512xbf16>
      %dot_general3A = arith.constant dense<0.000000e+00> : vector<128x512xf32>
      %dot_general3A_24 = tpu.matmul %convert_element_type3A_5, %convert_element_type3A_11, %dot_general3A {dimension_numbers = #tpu.dot_dimension_numbers<[1], [1], [0], [0], [0, 0, 1, 0], [], []>, transpose_lhs_hint = false} : vector<128x1024xbf16>, vector<512x1024xbf16>, vector<128x512xf32> -> vector<128x512xf32>
      %dot_general3A_25 = arith.constant dense<0.000000e+00> : vector<128x512xf32>
      %dot_general3A_26 = tpu.matmul %convert_element_type3A_5, %convert_element_type3A_17, %dot_general3A_25 {dimension_numbers = #tpu.dot_dimension_numbers<[1], [1], [0], [0], [0, 0, 1, 0], [], []>, transpose_lhs_hint = false} : vector<128x1024xbf16>, vector<512x1024xbf16>, vector<128x512xf32> -> vector<128x512xf32>
      %logistic3A = arith.negf %dot_general3A_24 : vector<128x512xf32>
      %logistic3A_27 = math.exp %logistic3A : vector<128x512xf32>
      %logistic3A_28 = arith.constant 1.000000e+00 : f32
      %logistic3A_29 = vector.broadcast %logistic3A_28 : f32 to vector<128x512xf32>
      %logistic3A_30 = arith.addf %logistic3A_29, %logistic3A_27 : vector<128x512xf32>
      %logistic3A_31 = arith.divf %logistic3A_29, %logistic3A_30 : vector<128x512xf32>
      %mul3A = arith.mulf %dot_general3A_24, %logistic3A_31 : vector<128x512xf32>
      %mul3A_32 = arith.mulf %mul3A, %dot_general3A_26 : vector<128x512xf32>
      %convert_element_type3A_33 = arith.truncf %mul3A_32 : vector<128x512xf32> to vector<128x512xbf16>
      %dot_general3A_34 = arith.constant dense<0.000000e+00> : vector<128x1024xf32>
      %dot_general3A_35 = tpu.matmul %convert_element_type3A_33, %convert_element_type3A_23, %dot_general3A_34 {dimension_numbers = #tpu.dot_dimension_numbers<[1], [1], [0], [0], [0, 0, 1, 0], [], []>, transpose_lhs_hint = false} : vector<128x512xbf16>, vector<1024x512xbf16>, vector<128x1024xf32> -> vector<128x1024xf32>
      %swap3A = arith.constant 0 : index
      %swap3A_36 = arith.constant 0 : index
      %swap3A_37 = vector.load %arg6[%swap3A, %swap3A_36] : memref<128x1024xf32, #tpu.memory_space<vmem>>, vector<128x1024xf32>
      tpu.vector_store %arg6[%swap3A, %swap3A_36], %dot_general3A_35 {strides = array<i32>} : memref<128x1024xf32, #tpu.memory_space<vmem>>, vector<128x1024xf32>,
    } else {
    }
    return
  }
  func.func @transform_0(%arg0: i32, %arg1: memref<97xi32, #tpu.memory_space<smem>>) -> (i32, i32) {
    %get3A = arith.constant 96 : index
    %get3A_0 = memref.load %arg1[%get3A] : memref<97xi32, #tpu.memory_space<smem>>
    %sub3A = arith.constant 1 : i32
    %sub3A_1 = arith.subi %get3A_0, %sub3A : i32
    %min3A = arith.minsi %arg0, %sub3A_1 : i32
    %c0_i32 = arith.constant 0 : i32
    %c0_i32_2 = arith.constant 0 : i32
    return %min3A, %c0_i32 : i32, i32
  }
  func.func @transform_1(%arg0: i32, %arg1: memref<97xi32, #tpu.memory_space<smem>>) -> (i32, i32, i32) {
    %get3A = arith.index_cast %arg0 : i32 to index
    %get3A_0 = memref.load %arg1[%get3A] : memref<97xi32, #tpu.memory_space<smem>>
    %c0_i32 = arith.constant 0 : i32
    %c0_i32_1 = arith.constant 0 : i32
    %c0_i32_2 = arith.constant 0 : i32
    return %get3A_0, %c0_i32, %c0_i32_1 : i32, i32, i32
  }
  func.func @transform_2(%arg0: i32, %arg1: memref<97xi32, #tpu.memory_space<smem>>) -> (i32, i32, i32) {
    %get3A = arith.index_cast %arg0 : i32 to index
    %get3A_0 = memref.load %arg1[%get3A] : memref<97xi32, #tpu.memory_space<smem>>
    %c0_i32 = arith.constant 0 : i32
    %c0_i32_1 = arith.constant 0 : i32
    %c0_i32_2 = arith.constant 0 : i32
    return %get3A_0, %c0_i32, %c0_i32_1 : i32, i32, i32
  }
  func.func @transform_3(%arg0: i32, %arg1: memref<97xi32, #tpu.memory_space<smem>>) -> (i32, i32, i32) {
    %get3A = arith.index_cast %arg0 : i32 to index
    %get3A_0 = memref.load %arg1[%get3A] : memref<97xi32, #tpu.memory_space<smem>>
    %c0_i32 = arith.constant 0 : i32
    %c0_i32_1 = arith.constant 0 : i32
    %c0_i32_2 = arith.constant 0 : i32
    return %get3A_0, %c0_i32, %c0_i32_1 : i32, i32, i32
  }
  func.func @transform_4(%arg0: i32, %arg1: memref<97xi32, #tpu.memory_space<smem>>) -> (i32, i32) {
    %get3A = arith.constant 96 : index
    %get3A_0 = memref.load %arg1[%get3A] : memref<97xi32, #tpu.memory_space<smem>>
    %sub3A = arith.constant 1 : i32
    %sub3A_1 = arith.subi %get3A_0, %sub3A : i32
    %min3A = arith.minsi %arg0, %sub3A_1 : i32
    %c0_i32 = arith.constant 0 : i32
    %c0_i32_2 = arith.constant 0 : i32
    return %min3A, %c0_i32 : i32, i32
  }
}

module attributes {stable_mosaic.version = 14 : i64} {
  func.func @_shared_body(%arg0: i32, %arg1: memref<256x1024xf32, #tpu.memory_space<vmem>>, %arg2: memref<512x1024xf32, #tpu.memory_space<vmem>>, %arg3: memref<512x1024xf32, #tpu.memory_space<vmem>>, %arg4: memref<1024x512xf32, #tpu.memory_space<vmem>>, %arg5: memref<256x1024xf32, #tpu.memory_space<vmem>>) attributes {dimension_semantics = [#tpu.dimension_semantics<arbitrary>], iteration_bounds = array<i64: 8>, scalar_prefetch = 0 : i64, scratch_operands = 0 : i64, tpu.core_type = #tpu.core_type<tc>, window_params = [{transform_indices = @transform_0, window_bounds = array<i64: 256, 1024>}, {pipeline_mode = #tpu.pipeline_mode<synchronous>, transform_indices = @transform_1, window_bounds = array<i64: 512, 1024>}, {pipeline_mode = #tpu.pipeline_mode<synchronous>, transform_indices = @transform_2, window_bounds = array<i64: 512, 1024>}, {pipeline_mode = #tpu.pipeline_mode<synchronous>, transform_indices = @transform_3, window_bounds = array<i64: 1024, 512>}, {transform_indices = @transform_4, window_bounds = array<i64: 256, 1024>}]} {
    %get3A = arith.constant 0 : index
    %get3A_0 = arith.constant 0 : index
    %get3A_1 = vector.load %arg1[%get3A, %get3A_0] : memref<256x1024xf32, #tpu.memory_space<vmem>>, vector<256x1024xf32>
    %convert_element_type3A = arith.truncf %get3A_1 : vector<256x1024xf32> to vector<256x1024xbf16>
    %get3A_2 = arith.constant 0 : index
    %get3A_3 = arith.constant 0 : index
    %get3A_4 = vector.load %arg2[%get3A_2, %get3A_3] : memref<512x1024xf32, #tpu.memory_space<vmem>>, vector<512x1024xf32>
    %convert_element_type3A_5 = arith.truncf %get3A_4 : vector<512x1024xf32> to vector<512x1024xbf16>
    %dot_general3A = arith.constant dense<0.000000e+00> : vector<256x512xf32>
    %dot_general3A_6 = tpu.matmul %convert_element_type3A, %convert_element_type3A_5, %dot_general3A {dimension_numbers = #tpu.dot_dimension_numbers<[1], [1], [0], [0], [0, 0, 1, 0], [], []>, transpose_lhs_hint = false} : vector<256x1024xbf16>, vector<512x1024xbf16>, vector<256x512xf32> -> vector<256x512xf32>
    %get3A_7 = arith.constant 0 : index
    %get3A_8 = arith.constant 0 : index
    %get3A_9 = vector.load %arg3[%get3A_7, %get3A_8] : memref<512x1024xf32, #tpu.memory_space<vmem>>, vector<512x1024xf32>
    %convert_element_type3A_10 = arith.truncf %get3A_9 : vector<512x1024xf32> to vector<512x1024xbf16>
    %dot_general3A_11 = arith.constant dense<0.000000e+00> : vector<256x512xf32>
    %dot_general3A_12 = tpu.matmul %convert_element_type3A, %convert_element_type3A_10, %dot_general3A_11 {dimension_numbers = #tpu.dot_dimension_numbers<[1], [1], [0], [0], [0, 0, 1, 0], [], []>, transpose_lhs_hint = false} : vector<256x1024xbf16>, vector<512x1024xbf16>, vector<256x512xf32> -> vector<256x512xf32>
    %logistic3A = arith.negf %dot_general3A_6 : vector<256x512xf32>
    %logistic3A_13 = math.exp %logistic3A : vector<256x512xf32>
    %logistic3A_14 = arith.constant 1.000000e+00 : f32
    %logistic3A_15 = vector.broadcast %logistic3A_14 : f32 to vector<256x512xf32>
    %logistic3A_16 = arith.addf %logistic3A_15, %logistic3A_13 : vector<256x512xf32>
    %logistic3A_17 = arith.divf %logistic3A_15, %logistic3A_16 : vector<256x512xf32>
    %mul3A = arith.mulf %dot_general3A_6, %logistic3A_17 : vector<256x512xf32>
    %mul3A_18 = arith.mulf %mul3A, %dot_general3A_12 : vector<256x512xf32>
    %convert_element_type3A_19 = arith.truncf %mul3A_18 : vector<256x512xf32> to vector<256x512xbf16>
    %get3A_20 = arith.constant 0 : index
    %get3A_21 = arith.constant 0 : index
    %get3A_22 = vector.load %arg4[%get3A_20, %get3A_21] : memref<1024x512xf32, #tpu.memory_space<vmem>>, vector<1024x512xf32>
    %convert_element_type3A_23 = arith.truncf %get3A_22 : vector<1024x512xf32> to vector<1024x512xbf16>
    %dot_general3A_24 = arith.constant dense<0.000000e+00> : vector<256x1024xf32>
    %dot_general3A_25 = tpu.matmul %convert_element_type3A_19, %convert_element_type3A_23, %dot_general3A_24 {dimension_numbers = #tpu.dot_dimension_numbers<[1], [1], [0], [0], [0, 0, 1, 0], [], []>, transpose_lhs_hint = false} : vector<256x512xbf16>, vector<1024x512xbf16>, vector<256x1024xf32> -> vector<256x1024xf32>
    %swap3A = arith.constant 0 : index
    %swap3A_26 = arith.constant 0 : index
    %swap3A_27 = vector.load %arg5[%swap3A, %swap3A_26] : memref<256x1024xf32, #tpu.memory_space<vmem>>, vector<256x1024xf32>
    tpu.vector_store %arg5[%swap3A, %swap3A_26], %dot_general3A_25 {strides = array<i32>} : memref<256x1024xf32, #tpu.memory_space<vmem>>, vector<256x1024xf32>,
    return
  }
  func.func @transform_0(%arg0: i32) -> (i32, i32) {
    %c0_i32 = arith.constant 0 : i32
    %c0_i32_0 = arith.constant 0 : i32
    return %arg0, %c0_i32 : i32, i32
  }
  func.func @transform_1(%arg0: i32) -> (i32, i32) {
    %c0_i32 = arith.constant 0 : i32
    %c0_i32_0 = arith.constant 0 : i32
    %c0_i32_1 = arith.constant 0 : i32
    return %c0_i32, %c0_i32_0 : i32, i32
  }
  func.func @transform_2(%arg0: i32) -> (i32, i32) {
    %c0_i32 = arith.constant 0 : i32
    %c0_i32_0 = arith.constant 0 : i32
    %c0_i32_1 = arith.constant 0 : i32
    return %c0_i32, %c0_i32_0 : i32, i32
  }
  func.func @transform_3(%arg0: i32) -> (i32, i32) {
    %c0_i32 = arith.constant 0 : i32
    %c0_i32_0 = arith.constant 0 : i32
    %c0_i32_1 = arith.constant 0 : i32
    return %c0_i32, %c0_i32_0 : i32, i32
  }
  func.func @transform_4(%arg0: i32) -> (i32, i32) {
    %c0_i32 = arith.constant 0 : i32
    %c0_i32_0 = arith.constant 0 : i32
    return %arg0, %c0_i32 : i32, i32
  }
}

module attributes {stable_mosaic.version = 14 : i64} {
  func.func @_combine_body(%arg0: i32, %arg1: memref<256x1024xf32, #tpu.memory_space<vmem>>, %arg2: memref<256x2048xf32, #tpu.memory_space<vmem>>, %arg3: memref<256x2xf32, #tpu.memory_space<vmem>>, %arg4: memref<256x1024xf32, #tpu.memory_space<vmem>>) attributes {dimension_semantics = [#tpu.dimension_semantics<arbitrary>], iteration_bounds = array<i64: 8>, scalar_prefetch = 0 : i64, scratch_operands = 0 : i64, tpu.core_type = #tpu.core_type<tc>, window_params = [{transform_indices = @transform_0, window_bounds = array<i64: 256, 1024>}, {transform_indices = @transform_1, window_bounds = array<i64: 256, 2048>}, {transform_indices = @transform_2, window_bounds = array<i64: 256, 2>}, {transform_indices = @transform_3, window_bounds = array<i64: 256, 1024>}]} {
    %get3A = arith.constant 0 : index
    %get3A_0 = arith.constant 0 : index
    %get3A_1 = vector.load %arg2[%get3A, %get3A_0] : memref<256x2048xf32, #tpu.memory_space<vmem>>, vector<256x2048xf32>
    %slice3A = vector.extract_strided_slice %get3A_1 {offsets = [0, 0], sizes = [256, 1024], strides = [1, 1]} : vector<256x2048xf32> to vector<256x1024xf32>
    %slice3A_2 = vector.extract_strided_slice %get3A_1 {offsets = [0, 1024], sizes = [256, 1024], strides = [1, 1]} : vector<256x2048xf32> to vector<256x1024xf32>
    %get3A_3 = arith.constant 0 : index
    %get3A_4 = arith.constant 0 : index
    %get3A_5 = vector.load %arg3[%get3A_3, %get3A_4] : memref<256x2xf32, #tpu.memory_space<vmem>>, vector<256x2xf32>
    %get3A_6 = arith.constant 0 : index
    %get3A_7 = arith.constant 0 : index
    %get3A_8 = vector.load %arg1[%get3A_6, %get3A_7] : memref<256x1024xf32, #tpu.memory_space<vmem>>, vector<256x1024xf32>
    %slice3A_9 = vector.extract_strided_slice %get3A_5 {offsets = [0, 0], sizes = [256, 1], strides = [1, 1]} : vector<256x2xf32> to vector<256x1xf32>
    %mul3A = vector.broadcast %slice3A_9 : vector<256x1xf32> to vector<256x1024xf32>
    %mul3A_10 = arith.mulf %mul3A, %slice3A : vector<256x1024xf32>
    %add3A = arith.addf %get3A_8, %mul3A_10 : vector<256x1024xf32>
    %slice3A_11 = vector.extract_strided_slice %get3A_5 {offsets = [0, 1], sizes = [256, 1], strides = [1, 1]} : vector<256x2xf32> to vector<256x1xf32>
    %mul3A_12 = vector.broadcast %slice3A_11 : vector<256x1xf32> to vector<256x1024xf32>
    %mul3A_13 = arith.mulf %mul3A_12, %slice3A_2 : vector<256x1024xf32>
    %add3A_14 = arith.addf %add3A, %mul3A_13 : vector<256x1024xf32>
    %swap3A = arith.constant 0 : index
    %swap3A_15 = arith.constant 0 : index
    %swap3A_16 = vector.load %arg4[%swap3A, %swap3A_15] : memref<256x1024xf32, #tpu.memory_space<vmem>>, vector<256x1024xf32>
    tpu.vector_store %arg4[%swap3A, %swap3A_15], %add3A_14 {strides = array<i32>} : memref<256x1024xf32, #tpu.memory_space<vmem>>, vector<256x1024xf32>,
    return
  }
  func.func @transform_0(%arg0: i32) -> (i32, i32) {
    %c0_i32 = arith.constant 0 : i32
    %c0_i32_0 = arith.constant 0 : i32
    return %arg0, %c0_i32 : i32, i32
  }
  func.func @transform_1(%arg0: i32) -> (i32, i32) {
    %c0_i32 = arith.constant 0 : i32
    %c0_i32_0 = arith.constant 0 : i32
    return %arg0, %c0_i32 : i32, i32
  }
  func.func @transform_2(%arg0: i32) -> (i32, i32) {
    %c0_i32 = arith.constant 0 : i32
    %c0_i32_0 = arith.constant 0 : i32
    return %arg0, %c0_i32 : i32, i32
  }
  func.func @transform_3(%arg0: i32) -> (i32, i32) {
    %c0_i32 = arith.constant 0 : i32
    %c0_i32_0 = arith.constant 0 : i32
    return %arg0, %c0_i32 : i32, i32
  }
}

</mosaic_0001>

<sc_bundles>
// kernel: kernel.11.cloned.1.call-start
scs
__scs_entry_jumppad:
0x0: {  	(pc) =	sbr.rel $0x88, $3  }
0x1: {  	(tag) =	ssettag $0x0;
	lr =	simm.s32 $0x1  }
0x2: {  	[smem:$0x3F98] =	sst lr;
	_ =	strace $0xD0000000  }
0x3: {  	_ = 	snop  }
0x4: {  	_ = 	snop  }
0x5: {  	_ = 	snop  }
0x6: {  	_ = 	snop  }
0x7: {  	_ = 	snop  }
__scs_overlays_trampoline_lowered:
0x8: {  	[smem:$0x3FA7] =	sst s0  }
0x9: {  	[smem:$0x3FA8] =	sst s1  }
0xa: {  	[smem:$0x3FA9] =	sst s2  }
0xb: {  	[smem:$0x3FAA] =	sst s3  }
0xc: {  	[smem:$0x3FAB] =	sst s4  }
0xd: {  	[smem:$0x3FAC] =	sst s5  }
0xe: {  	[smem:$0x3FAD] =	sst s6  }
0xf: {  	[smem:$0x3FAE] =	sst s7  }
0x10: {  	[smem:$0x3FAF] =	sst s8  }
0x11: {  	[smem:$0x3FB0] =	sst s9;
	s0 =	simm.s32 @!p0 $0x0  }
0x12: {  	s1 =	sld [smem:$0x3F96];
	s0 =	simm.s32 @p0 $0x1  }
0x13: {  	[smem:$0x3FB1] =	sst s0;
	s0 =	simm.s32 @!p1 $0x0  }
0x14: {  	s2 =	sld [smem:$0x3F95];
	s0 =	simm.s32 @p1 $0x1  }
0x15: {  	[smem:$0x3FB2] =	sst s0;
	s0 =	simm.s32 @!p2 $0x0  }
0x16: {  	s3 =	sld [smem:$0x3FDB];
	s0 =	simm.s32 @p2 $0x1  }
0x17: {  	s4 =	simm.s32 $0x1BF5;
	[smem:$0x3FB4] =	sst s0  }
0x18: {  	s0 =	sld [smem:$0x3F97];
	_ =	swait.ge [sflag:s4], $0x0  }
0x19: {  	s7 =	sld [smem:$0x3F98]  }
0x1a: {  	s8 =	sadd.s32 $0xFFFFE003, lr  }
0x1b: {  	s9 =	sadd.s32 $0xFFFFFEF7, lr;
	s5 =	simm.s32 $0xFFFFFFFF;
	p2 =	slt.u32 s8, $0xFFFFF086  }
0x1c: {  	p1 =	slt.u32 s9, $0xF7A;
	s5 =	simm.s32 @!p2 $0x0  }
0x1d: {  	s5 =	simm.s32 @p1 $0x1;
	p0 =	seq.s32 s7, s2  }
0x1e: {  	s7 =	smul.u32 @!p0 $0xF7A, s2;
	p2 =	seq.s32 @!p0 s5, $0x0  }
0x1f: {  	s9 =	smul.u32 $0xF7A, s1;
	s8 =	simm.s32 @!p0 $0x1BF5;
	p2 =	por !p2, p0  }
0x20: {  	[sflag:s8] =	ssyncset.s32 @!p0 $0xFFFFF086;
	s6 =	sadd.s32 @!p0 s3, s7;
	s7 =	simm.s32 @!p0 $0x108  }
0x21: {  	s3 =	sadd.s32 s3, s9;
	s6 =	sadd.s32 @!p0 $0x88, s6;
	s7 =	simm.s32 @p2 $0x1082  }
0x22: {  	[simem:s7], [sflag:s8] =	dma.local @!p0 [hbm:s6], $0xF7A  }
0x23: {  	s9 =	sor.u32 $0xD0000000, s2;
	s6 =	simm.s32 $0x108;
	_ =	swait.ge @!p0 [sflag:s8], $0x0  }
0x24: {  	s3 =	sadd.s32 $0x88, s3;
	s6 =	simm.s32 @!p1 $0x1082;
	[sflag:s4] =	ssyncset.s32 $0xFFFFF086  }
0x25: {  	[simem:s6], [sflag:s4] =	dma.local [hbm:s3], $0xF7A  }
0x26: {  	[smem:$0x3F98] =	sst s1;
	(tag) =	ssettag s2;
	_ =	strace s9  }
0x27: {  	s1 =	sld [smem:$0x3FA8]  }
0x28: {  	s2 =	sld [smem:$0x3FA9]  }
0x29: {  	s4 =	sld [smem:$0x3FAB]  }
0x2a: {  	p0 =	seq.s32 s5, $0x0;
	s5 =	sld [smem:$0x3FAC]  }
0x2b: {  	s6 =	sld [smem:$0x3FAD]  }
0x2c: {  	s7 =	sld [smem:$0x3FAE]  }
0x2d: {  	s3 =	simm.s32 $0x108;
	s8 =	sld [smem:$0x3FAF]  }
0x2e: {  	s3 =	simm.s32 @!p0 $0x1082;
	s9 =	sld [smem:$0x3FB0]  }
0x2f: {  	lr =	sadd.s32 s0, s3;
	s0 =	sld [smem:$0x3FA7]  }
0x30: {  	s3 =	sld [smem:$0x3FAA]  }
0x31: {  	[smem:$0x3FB3] =	sst s10  }
0x32: {  	s10 =	sld [smem:$0x3FB1];
	_ =	sdelay $0x3  }
0x33: {  	p0 =	seq.s32 s10, $0x1;
	s10 =	sld [smem:$0x3FB3];
	_ =	sdelay $0x3  }
0x34: {  	[smem:$0x3FB3] =	sst s10  }
0x35: {  	s10 =	sld [smem:$0x3FB2];
	_ =	sdelay $0x3  }
0x36: {  	p1 =	seq.s32 s10, $0x1;
	s10 =	sld [smem:$0x3FB3];
	_ =	sdelay $0x3  }
0x37: {  	[smem:$0x3FB3] =	sst s10  }
0x38: {  	s10 =	sld [smem:$0x3FB4]  }
0x39: {  	_ = 	snop;
	(pc) =	sbr.ind lr, $3  }
0x3a: {  	_ = 	snop  }
0x3b: {  	_ = 	snop  }
0x3c: {  	p2 =	seq.s32 s10, $0x1;
	s10 =	sld [smem:$0x3FB3]  }
0x3d: {  	_ =	shalt  }
0x3e: {  	_ =	shalt  }
0x3f: {  	_ =	shalt  }
0x40: {  	_ =	shalt  }
0x41: {  	_ =	shalt  }
0x42: {  	_ =	shalt  }
0x43: {  	_ =	shalt  }
0x44: {  	_ =	shalt  }
0x45: {  	_ =	shalt  }
0x46: {  	_ =	shalt  }
0x47: {  	_ =	shalt  }
0x48: {  	_ =	shalt  }
0x49: {  	_ =	shalt  }
0x4a: {  	_ =	shalt  }
0x4b: {  	_ =	shalt  }
0x4c: {  	_ =	shalt  }
0x4d: {  	_ =	shalt  }
0x4e: {  	_ =	shalt  }
0x4f: {  	_ =	shalt  }
0x50: {  	_ =	shalt  }
0x51: {  	_ =	shalt  }
0x52: {  	_ =	shalt  }
0x53: {  	_ =	shalt  }
0x54: {  	_ =	shalt  }
0x55: {  	_ =	shalt  }
0x56: {  	_ =	shalt  }
0x57: {  	_ =	shalt  }
0x58: {  	_ =	shalt  }
0x59: {  	_ =	shalt  }
0x5a: {  	_ =	shalt  }
0x5b: {  	_ =	shalt  }
0x5c: {  	_ =	shalt  }
0x5d: {  	_ =	shalt  }
0x5e: {  	_ =	shalt  }
0x5f: {  	_ =	shalt  }
0x60: {  	_ =	shalt  }
0x61: {  	_ =	shalt  }
0x62: {  	_ =	shalt  }
0x63: {  	_ =	shalt  }
0x64: {  	_ =	shalt  }
0x65: {  	_ =	shalt  }
0x66: {  	_ =	shalt  }
0x67: {  	_ =	shalt  }
0x68: {  	_ =	shalt  }
0x69: {  	_ =	shalt  }
0x6a: {  	_ =	shalt  }
0x6b: {  	_ =	shalt  }
0x6c: {  	_ =	shalt  }
0x6d: {  	_ =	shalt  }
0x6e: {  	_ =	shalt  }
0x6f: {  	_ =	shalt  }
0x70: {  	_ =	shalt  }
0x71: {  	_ =	shalt  }
0x72: {  	_ =	shalt  }
0x73: {  	_ =	shalt  }
0x74: {  	_ =	shalt  }
0x75: {  	_ =	shalt  }
0x76: {  	_ =	shalt  }
0x77: {  	_ =	shalt  }
0x78: {  	_ =	shalt  }
0x79: {  	_ =	shalt  }
0x7a: {  	_ =	shalt  }
0x7b: {  	_ =	shalt  }
0x7c: {  	_ =	shalt  }
0x7d: {  	_ =	shalt  }
0x7e: {  	_ =	shalt  }
0x7f: {  	_ =	shalt  }
0x80: {  	_ =	shalt  }
0x81: {  	_ =	shalt  }
0x82: {  	_ =	shalt  }
0x83: {  	_ =	shalt  }
0x84: {  	_ =	shalt  }
0x85: {  	_ =	shalt  }
0x86: {  	_ =	shalt  }
0x87: {  	_ =	shalt  }
.Lfunc_end0:
.L_simem_size_0:
called_computation.1_lowered:
.L_overlay_start_0:
0x88: {  	s2 =	sld [smem:$0x3FD9]  }
0x89: {  	s3 =	sld [smem:$0x3FFE];
	_ =	sdelay $0x1  }
0x8a: {  	s1 =	srdreg.scid  }
0x8b: {  	s0 =	sand.u32 $0x1, s1  }
0x8c: {  	s16 =	sshll.u32 s0, $0xA;
	s2 =	sadd.s32 s3, s2  }
0x8d: {  	s2 =	sadd.s32 s2, s16  }
0x8e: {  	[smem:$0x3FBF] =	sst s2  }
0x8f: {  	_ = 	snop  }
0x90: {  	(tm) =	ssettm $0x1  }
0x91: {  	s17 =	sld [smem:$0x3FFB];
	_ =	sdelay $0x3  }
0x92: {  	_ =	strace s17  }
0x93: {  	s2 =	sld [smem:$0x3FFC];
	_ =	sdelay $0x3  }
0x94: {  	_ =	strace s2  }
0x95: {  	s2 =	sld [smem:$0x3FFD];
	_ =	sdelay $0x3  }
0x96: {  	_ =	strace s2  }
0x97: {  	_ =	strace $0x8FFFFFFF  }
0x98: {  	s18 =	sld [smem:$0x3FDB];
	_ =	sdelay $0x1  }
0x99: {  	s19 =	simm.s32 $_scs_section_size  }
0x9a: {  	s4 =	simm.s32 $_size__tile_overlayer_lowered;
	s5 =	simm.s32 $_tile_overlayer_lowered  }
0x9b: {  	s22 =	simm.s32 $0x1BFF;
	s21 =	sshll.u32 s5, $0x1;
	s2 =	sadd.s32 s19, s18  }
0x9c: {  	s6 =	simm.s32 $0x0;
	s20 =	sshll.u32 s4, $0x1;
	s4 =	sadd.s32 s21, s2  }
0x9d: {  	[timem:s6], [sflag:s22] =	dma.local [hbm:s4], s20  }
0x9e: {  	_ =	swait.ge [sflag:s22], s20  }
0x9f: {  	s3 =	ssub.s32 $0x0, s20;
	[sflag:s22] =	ssyncset.done $0x0  }
0xa0: {  	[sflag:s22] =	ssyncadd.s32 s3;
	_ =	sdelay $0x1  }
0xa1: {  	s23 =	simm.s32 $0x1B8B  }
0xa2: {  	_ =	swait.ge [sflag:s23], $0x1  }
0xa3: {  	[sflag:s23] =	ssyncset.done $0x0  }
0xa4: {  	s25 =	simm.s32 $0x1B8E;
	s24 =	sld [smem:$0x3FFE];
	[sflag:s23] =	ssyncadd.s32 $0xFFFFFFFF  }
0xa5: {  	s26 =	simm.s32 $execute0_lowered;
	[smem:$0x3FD2] =	sst s25  }
0xa6: {  	s4 =	sshll.u32 s26, $0x1;
	_ =	strace $0x80000049;
	[dreg:$0x1] =	wrdreg $0xFFFFFFFF  }
0xa7: {  	s28 =	simm.s32 $_size_execute0_lowered;
	s2 =	sadd.s32 s2, s4;
	[dreg:$0x0] =	wrdreg $0x0  }
0xa8: {  	s4 =	sshll.u32 s28, $0x1;
	[dreg:$0x2] =	wrdreg s2  }
0xa9: {  	[dreg:$0x3] =	wrdreg s4  }
0xaa: {  	[dreg:$0x4] =	wrdreg $0xC0  }
0xab: {  	_ =	task [dreg:s6], $0x5FFFF  }
0xac: {  	[dreg:$0x1] =	wrdreg $0xFFFFFFFF  }
0xad: {  	[dreg:$0x0] =	wrdreg $0x60  }
0xae: {  	[dreg:$0x2] =	wrdreg s24  }
0xaf: {  	[dreg:$0x3] =	wrdreg $0x9  }
0xb0: {  	_ =	task.clear_ibuf [dreg:s6], $0x4FFFF;
	_ =	strace $0x90000049  }
0xb1: {  	s29 =	simm.s32 $0x9;
	_ =	strace $0x8000004B  }
0xb2: {  	_ =	swait.ge [sflag:s29], $0x1  }
0xb3: {  	[sflag:s29] =	ssyncadd.s32 $0xFFFFFFFF  }
0xb4: {  	_ =	strace $0x9000004B  }
0xb5: {  	_ =	sfence  }
0xb6: {  	s30 =	sld [smem:$0x0];
	_ =	sdelay $0x2  }
0xb7: {  	s31 =	sshll.u32 s1, $0xD;
	s1 =	sshrl.u32 s1, $0x2  }
0xb8: {  	s3 =	sand.u32 $0x4000, s31;
	s1 =	sadd.s32 s1, s30  }
0xb9: {  	s0 =	sor.u32 s3, s0;
	s1 =	sshll.u32 s1, $0x11  }
0xba: {  	s0 =	sor.u32 s1, s0  }
0xbb: {  	s0 =	sadd.s32 $0x8F2B, s0  }
0xbc: {  	[sflag:s0] =	ssyncadd.remote.s32 $0x1  }
0xbd: {  	_ =	sfence.sel $0xFFFF  }
0xbe: {  	[dreg:$0x0] =	wrdreg $0xFFFFFFFF;
	(pc) =	sbr.abs _section_cstart, $3  }
0xbf: {  	[dreg:$0x1] =	wrdreg $0xFFFFFFFF  }
0xc0: {  	_ =	task.clear_ibuf [dreg:s6], $0x2FFFF;
	_ =	strace $0x9FFFFFFF  }
0xc1: {  	(tm) =	ssettm $0x7FFFFFFF  }
tec
execute0_lowered:
.L_overlay_start_1:
0x0: {  	(tag) =	ssettag $0x1  }
0x1: {  	s6 =	rddreg [dreg:$0x0]  }
0x2: {  	s2 =	srdreg.scid;
	s1 =	stileid.u32  }
0x3: {  	s12 =	simm.s32 $0x880;
	s13 =	simm.s32 $0x1080;
	s14 =	simm.s32 $0x1880  }
0x4: {  	s15 =	simm.s32 $0x2080;
	s16 =	simm.s32 $0x2880;
	s17 =	simm.s32 $0x3080  }
0x5: {  	s18 =	simm.s32 $0x3880;
	s19 =	simm.s32 $0x4080;
	s20 =	simm.s32 $0x4880  }
0x6: {  	s21 =	simm.s32 $0x5080;
	s22 =	simm.s32 $0x5880;
	s23 =	simm.s32 $0x6080  }
0x7: {  	s24 =	simm.s32 $0x6880;
	s25 =	simm.s32 $0x7080;
	s26 =	simm.s32 $0x7880  }
0x8: {  	s28 =	simm.s32 $0x1;
	s29 =	simm.s32 $0x0;
	s7 =	sand.u32 $0x1, s2  }
0x9: {  	s2 =	simm.s32 $0x0;
	s3 =	sshll.u32 s1, $0x8;
	s31 =	sshll.u32 s1, $0xF  }
0xa: {  	s4 =	sshll.u32 s7, $0x7;
	[smem:$0x7FF] =	sst s2;
	s5 =	ssub.s32 $0x2, s7  }
0xb: {  	s8 =	sadd.s32 s31, s6;
	s11 =	sshll.u32 s7, $0xE;
	s4 =	sor.u32 s4, s3  }
0xc: {  	_ =	strace $0x8000004A;
	s3 =	sadd.s32 $0x181800, s6;
	s10 =	sshrl.u32 s5, $0x1  }
0xd: {  	s8 =	sadd.s32 s11, s8;
	s11 =	simm.s32 $0x80;
	s4 =	sshrl.u32 s4, $0x3  }
0xe: {  	v2 =	vlaneseq.u32;
	s10 =	ssub.s32 s5, s10;
	s5 =	sadd.s32 $0x181A00, s6;
	s8 =	sadd.s32 $0x1800, s8  }
0xf: {  	vm0 =	vmmov $0xffff;
	v1 =	vshrl.u32 v2, $0x3;
	s9 =	sadd.s32 s4, s6;
	s4 =	sadd.s32 $0x181900, s6;
	s6 =	sadd.s32 $0x181B00, s6  }
0x10: {  	v0 =	vand.u32 $0x7, v2;
	v2 =	vor.u32 $0x8, v2;
	v1 =	vmul.u32 $0x8, v1;
	s7 =	smax.u32 s10, $0x1;
	s10 =	simm.s32 $0x2;
	s9 =	sadd.s32 $0x1600, s9  }
.LBB2_1:
0x11: {  	s30 =	smov.u32 s8;
	s31 =	simm.s32 $0x0  }
.LBB2_2:
0x12: {  	s0 =	sadd.s32 s31, s9  }
0x13: {  	[tilespmem:s2], [sflag:$0x2] =	stream.linear.gather [hbm4b:s0+s2], $0x20, $0x38;
	[tilespmem:$0x8080] =	vst v63  }
0x14: {  	_ =	swait.ge [sflag:s10], $0x20  }
0x15: {  	[sflag:s10] =	ssyncset.done $0x0  }
0x16: {  	[sflag:s10] =	ssyncadd.s32 $0xFFFFFFE0  }
0x17: {  	v3 =	vld [tilespmem:$0x0];
	_ =	sdelay $0x4  }
0x18: {  	v4 =	vshll.u32 v3, $0x3  }
0x19: {  	v3 =	vand.u32 $0x7, v3;
	v4 =	vand.u32 $0xFFFFFFC0, v4  }
0x1a: {  	v3 =	vor.u32 v3, v4  }
0x1b: {  	v4 =	vperm.xlane v3, v0;
	_ =	sdelay $0x1  }
0x1c: {  	v4 =	vadd.s32 v1, v4;
	_ =	sdelay $0x4  }
0x1d: {  	[tilespmem:s11], [sflag:$0x1] =	stream.indirect_vreg.gather [hbm4b:s3+s2], $0x80, v4, vm0, $0xb8;
	[tilespmem:$0x8080] =	vst v63  }
0x1e: {  	v3 =	vperm.xlane v3, v2  }
0x1f: {  	[tilespmem:s12], [sflag:$0x1] =	stream.indirect_vreg.gather [hbm4b:s4+s2], $0x80, v4, vm0, $0xb8;
	[tilespmem:$0x8080] =	vst v63  }
0x20: {  	v3 =	vadd.s32 v1, v3  }
0x21: {  	[tilespmem:s13], [sflag:$0x1] =	stream.indirect_vreg.gather [hbm4b:s5+s2], $0x80, v4, vm0, $0xb8;
	[tilespmem:$0x8080] =	vst v63  }
0x22: {  	_ = 	snop  }
0x23: {  	[tilespmem:s14], [sflag:$0x1] =	stream.indirect_vreg.gather [hbm4b:s6+s2], $0x80, v4, vm0, $0xb8;
	[tilespmem:$0x8080] =	vst v63  }
0x24: {  	_ = 	snop  }
0x25: {  	[tilespmem:s15], [sflag:$0x1] =	stream.indirect_vreg.gather [hbm4b:s3+s2], $0x80, v3, vm0, $0xb8;
	[tilespmem:$0x8080] =	vst v63  }
0x26: {  	_ = 	snop  }
0x27: {  	[tilespmem:s16], [sflag:$0x1] =	stream.indirect_vreg.gather [hbm4b:s4+s2], $0x80, v3, vm0, $0xb8;
	[tilespmem:$0x8080] =	vst v63  }
0x28: {  	_ = 	snop  }
0x29: {  	[tilespmem:s17], [sflag:$0x1] =	stream.indirect_vreg.gather [hbm4b:s5+s2], $0x80, v3, vm0, $0xb8;
	[tilespmem:$0x8080] =	vst v63  }
0x2a: {  	_ = 	snop  }
0x2b: {  	[tilespmem:s18], [sflag:$0x1] =	stream.indirect_vreg.gather [hbm4b:s6+s2], $0x80, v3, vm0, $0xb8;
	[tilespmem:$0x8080] =	vst v63  }
0x2c: {  	v3 =	vld [tilespmem:$0x10];
	_ =	sdelay $0x4  }
0x2d: {  	v63 =	vshll.u32 v3, $0x3  }
0x2e: {  	v3 =	vand.u32 $0x7, v3;
	v4 =	vand.u32 $0xFFFFFFC0, v63  }
0x2f: {  	v3 =	vor.u32 v3, v4  }
0x30: {  	v4 =	vperm.xlane v3, v0;
	_ =	sdelay $0x1  }
0x31: {  	v4 =	vadd.s32 v1, v4;
	_ =	sdelay $0x4  }
0x32: {  	[tilespmem:s19], [sflag:$0x1] =	stream.indirect_vreg.gather [hbm4b:s3+s2], $0x80, v4, vm0, $0xb8;
	[tilespmem:$0x8080] =	vst v63  }
0x33: {  	v3 =	vperm.xlane v3, v2  }
0x34: {  	[tilespmem:s20], [sflag:$0x1] =	stream.indirect_vreg.gather [hbm4b:s4+s2], $0x80, v4, vm0, $0xb8;
	[tilespmem:$0x8080] =	vst v63  }
0x35: {  	v3 =	vadd.s32 v1, v3  }
0x36: {  	[tilespmem:s21], [sflag:$0x1] =	stream.indirect_vreg.gather [hbm4b:s5+s2], $0x80, v4, vm0, $0xb8;
	[tilespmem:$0x8080] =	vst v63  }
0x37: {  	_ = 	snop  }
0x38: {  	[tilespmem:s22], [sflag:$0x1] =	stream.indirect_vreg.gather [hbm4b:s6+s2], $0x80, v4, vm0, $0xb8;
	[tilespmem:$0x8080] =	vst v63  }
0x39: {  	_ = 	snop  }
0x3a: {  	[tilespmem:s23], [sflag:$0x1] =	stream.indirect_vreg.gather [hbm4b:s3+s2], $0x80, v3, vm0, $0xb8;
	[tilespmem:$0x8080] =	vst v63  }
0x3b: {  	_ = 	snop  }
0x3c: {  	[tilespmem:s24], [sflag:$0x1] =	stream.indirect_vreg.gather [hbm4b:s4+s2], $0x80, v3, vm0, $0xb8;
	[tilespmem:$0x8080] =	vst v63  }
0x3d: {  	_ = 	snop  }
0x3e: {  	[tilespmem:s25], [sflag:$0x1] =	stream.indirect_vreg.gather [hbm4b:s5+s2], $0x80, v3, vm0, $0xb8;
	[tilespmem:$0x8080] =	vst v63  }
0x3f: {  	_ = 	snop  }
0x40: {  	[tilespmem:s26], [sflag:$0x1] =	stream.indirect_vreg.gather [hbm4b:s6+s2], $0x80, v3, vm0, $0xb8;
	[tilespmem:$0x8080] =	vst v63  }
0x41: {  	_ =	swait.ge [sflag:s28], $0x8000  }
0x42: {  	p0 =	sne.s32 s31, $0xC;
	[sflag:s28] =	ssyncset.done $0x0  }
.Ltmp0:
0x43: {  	[sflag:s28] =	ssyncadd.s32 $0xFFFF8000;
	(pc) =	sbr.rel @p0 .LBB2_2-.Ltmp0, $4  }
0x44: {  	[hbm4b:s30+s2] =	stream.linear.scatter [tilespmem:s11], [sflag:$0x2], $0x8000, $0x38;
	[tilespmem:$0x8080] =	vst v63  }
0x45: {  	_ =	swait.ge [sflag:s10], $0x8000  }
0x46: {  	[sflag:s10] =	ssyncset.done $0x0  }
0x47: {  	s31 =	sadd.s32 $0x4, s31;
	s30 =	sadd.s32 $0x1000, s30;
	[sflag:s10] =	ssyncadd.s32 $0xFFFF8000  }
0x48: {  	s29 =	sadd.s32 $0x1, s29  }
0x49: {  	p0 =	sne.s32 s29, s7  }
.Ltmp1:
0x4a: {  	_ = 	snop;
	(pc) =	sbr.rel @p0 .LBB2_1-.Ltmp1, $1  }
0x4b: {  	_ =	sdelay $0x3  }
0x4c: {  	_ =	sfence.sel $0x180000  }
0x4d: {  	[bflag:$0x0] =	sbarrier.arrive $0xFFFF  }
0x4e: {  	_ =	strace $0x9000004A  }
0x4f: {  	[bflag:$0x2] =	sbarrier.arrive $0xFFFF  }
0x50: {  	p0 =	sne.s32 s1, $0x0;
	s0 =	rddreg [dreg:$0x1]  }
0x51: {  	s0 =	sadd.s32 @!p0 $0x100000, s0  }
0x52: {  	[sflag:s0] =	ssyncadd.tile.s32 @!p0 $0x1;
	_ =	shalt  }
.Lfunc_end2:
_tile_overlayer_lowered:
.L_overlay_start_2:
0x53: {  	(tag) =	ssettag $0x2  }
0x54: {  	s0 =	rddreg [dreg:$0x0];
	s2 =	stileid.u32  }
0x55: {  	s1 =	rddreg [dreg:$0x1];
	p0 =	sne.s32 s2, $0x0  }
0x56: {  	s3 =	rddreg [dreg:$0x2];
	[bflag:$0x3] =	sbarrier.arrive $0xFFFF;
	s2 =	simm.s32 @!p0 $0x1C02  }
0x57: {  	[timem:s3], [sflag:s2] =	dma.local @!p0 [hbm:s0], s1  }
0x58: {  	s0 =	simm.s32 @!p0 $0x2  }
0x59: {  	_ =	swait.ge @!p0 [sflag:s0], s1  }
0x5a: {  	s1 =	ssub.s32 @!p0 $0x0, s1;
	[sflag:s0] =	ssyncset.done @!p0 $0x0  }
0x5b: {  	[sflag:s0] =	ssyncadd.s32 @!p0 s1  }
0x5c: {  	[bflag:$0x3] =	sbarrier.arrive $0xFFFF  }
0x5d: {  	_ =	shalt  }

// kernel: kernel.8.cloned.1.call-start
scs
__scs_entry_jumppad:
0x0: {  	(pc) =	sbr.rel $0x88, $3  }
0x1: {  	(tag) =	ssettag $0x0;
	lr =	simm.s32 $0x1  }
0x2: {  	[smem:$0x3F98] =	sst lr;
	_ =	strace $0xD0000000  }
0x3: {  	_ = 	snop  }
0x4: {  	_ = 	snop  }
0x5: {  	_ = 	snop  }
0x6: {  	_ = 	snop  }
0x7: {  	_ = 	snop  }
__scs_overlays_trampoline_lowered:
0x8: {  	[smem:$0x3FA7] =	sst s0  }
0x9: {  	[smem:$0x3FA8] =	sst s1  }
0xa: {  	[smem:$0x3FA9] =	sst s2  }
0xb: {  	[smem:$0x3FAA] =	sst s3  }
0xc: {  	[smem:$0x3FAB] =	sst s4  }
0xd: {  	[smem:$0x3FAC] =	sst s5  }
0xe: {  	[smem:$0x3FAD] =	sst s6  }
0xf: {  	[smem:$0x3FAE] =	sst s7  }
0x10: {  	[smem:$0x3FAF] =	sst s8  }
0x11: {  	[smem:$0x3FB0] =	sst s9;
	s0 =	simm.s32 @!p0 $0x0  }
0x12: {  	s1 =	sld [smem:$0x3F96];
	s0 =	simm.s32 @p0 $0x1  }
0x13: {  	[smem:$0x3FB1] =	sst s0;
	s0 =	simm.s32 @!p1 $0x0  }
0x14: {  	s2 =	sld [smem:$0x3F95];
	s0 =	simm.s32 @p1 $0x1  }
0x15: {  	[smem:$0x3FB2] =	sst s0;
	s0 =	simm.s32 @!p2 $0x0  }
0x16: {  	s3 =	sld [smem:$0x3FDB];
	s0 =	simm.s32 @p2 $0x1  }
0x17: {  	s4 =	simm.s32 $0x1BF5;
	[smem:$0x3FB4] =	sst s0  }
0x18: {  	s0 =	sld [smem:$0x3F97];
	_ =	swait.ge [sflag:s4], $0x0  }
0x19: {  	s7 =	sld [smem:$0x3F98]  }
0x1a: {  	s8 =	sadd.s32 $0xFFFFE003, lr  }
0x1b: {  	s9 =	sadd.s32 $0xFFFFFEF7, lr;
	s5 =	simm.s32 $0xFFFFFFFF;
	p2 =	slt.u32 s8, $0xFFFFF086  }
0x1c: {  	p1 =	slt.u32 s9, $0xF7A;
	s5 =	simm.s32 @!p2 $0x0  }
0x1d: {  	s5 =	simm.s32 @p1 $0x1;
	p0 =	seq.s32 s7, s2  }
0x1e: {  	s7 =	smul.u32 @!p0 $0xF7A, s2;
	p2 =	seq.s32 @!p0 s5, $0x0  }
0x1f: {  	s9 =	smul.u32 $0xF7A, s1;
	s8 =	simm.s32 @!p0 $0x1BF5;
	p2 =	por !p2, p0  }
0x20: {  	[sflag:s8] =	ssyncset.s32 @!p0 $0xFFFFF086;
	s6 =	sadd.s32 @!p0 s3, s7;
	s7 =	simm.s32 @!p0 $0x108  }
0x21: {  	s3 =	sadd.s32 s3, s9;
	s6 =	sadd.s32 @!p0 $0x88, s6;
	s7 =	simm.s32 @p2 $0x1082  }
0x22: {  	[simem:s7], [sflag:s8] =	dma.local @!p0 [hbm:s6], $0xF7A  }
0x23: {  	s9 =	sor.u32 $0xD0000000, s2;
	s6 =	simm.s32 $0x108;
	_ =	swait.ge @!p0 [sflag:s8], $0x0  }
0x24: {  	s3 =	sadd.s32 $0x88, s3;
	s6 =	simm.s32 @!p1 $0x1082;
	[sflag:s4] =	ssyncset.s32 $0xFFFFF086  }
0x25: {  	[simem:s6], [sflag:s4] =	dma.local [hbm:s3], $0xF7A  }
0x26: {  	[smem:$0x3F98] =	sst s1;
	(tag) =	ssettag s2;
	_ =	strace s9  }
0x27: {  	s1 =	sld [smem:$0x3FA8]  }
0x28: {  	s2 =	sld [smem:$0x3FA9]  }
0x29: {  	s4 =	sld [smem:$0x3FAB]  }
0x2a: {  	p0 =	seq.s32 s5, $0x0;
	s5 =	sld [smem:$0x3FAC]  }
0x2b: {  	s6 =	sld [smem:$0x3FAD]  }
0x2c: {  	s7 =	sld [smem:$0x3FAE]  }
0x2d: {  	s3 =	simm.s32 $0x108;
	s8 =	sld [smem:$0x3FAF]  }
0x2e: {  	s3 =	simm.s32 @!p0 $0x1082;
	s9 =	sld [smem:$0x3FB0]  }
0x2f: {  	lr =	sadd.s32 s0, s3;
	s0 =	sld [smem:$0x3FA7]  }
0x30: {  	s3 =	sld [smem:$0x3FAA]  }
0x31: {  	[smem:$0x3FB3] =	sst s10  }
0x32: {  	s10 =	sld [smem:$0x3FB1];
	_ =	sdelay $0x3  }
0x33: {  	p0 =	seq.s32 s10, $0x1;
	s10 =	sld [smem:$0x3FB3];
	_ =	sdelay $0x3  }
0x34: {  	[smem:$0x3FB3] =	sst s10  }
0x35: {  	s10 =	sld [smem:$0x3FB2];
	_ =	sdelay $0x3  }
0x36: {  	p1 =	seq.s32 s10, $0x1;
	s10 =	sld [smem:$0x3FB3];
	_ =	sdelay $0x3  }
0x37: {  	[smem:$0x3FB3] =	sst s10  }
0x38: {  	s10 =	sld [smem:$0x3FB4]  }
0x39: {  	_ = 	snop;
	(pc) =	sbr.ind lr, $3  }
0x3a: {  	_ = 	snop  }
0x3b: {  	_ = 	snop  }
0x3c: {  	p2 =	seq.s32 s10, $0x1;
	s10 =	sld [smem:$0x3FB3]  }
0x3d: {  	_ =	shalt  }
0x3e: {  	_ =	shalt  }
0x3f: {  	_ =	shalt  }
0x40: {  	_ =	shalt  }
0x41: {  	_ =	shalt  }
0x42: {  	_ =	shalt  }
0x43: {  	_ =	shalt  }
0x44: {  	_ =	shalt  }
0x45: {  	_ =	shalt  }
0x46: {  	_ =	shalt  }
0x47: {  	_ =	shalt  }
0x48: {  	_ =	shalt  }
0x49: {  	_ =	shalt  }
0x4a: {  	_ =	shalt  }
0x4b: {  	_ =	shalt  }
0x4c: {  	_ =	shalt  }
0x4d: {  	_ =	shalt  }
0x4e: {  	_ =	shalt  }
0x4f: {  	_ =	shalt  }
0x50: {  	_ =	shalt  }
0x51: {  	_ =	shalt  }
0x52: {  	_ =	shalt  }
0x53: {  	_ =	shalt  }
0x54: {  	_ =	shalt  }
0x55: {  	_ =	shalt  }
0x56: {  	_ =	shalt  }
0x57: {  	_ =	shalt  }
0x58: {  	_ =	shalt  }
0x59: {  	_ =	shalt  }
0x5a: {  	_ =	shalt  }
0x5b: {  	_ =	shalt  }
0x5c: {  	_ =	shalt  }
0x5d: {  	_ =	shalt  }
0x5e: {  	_ =	shalt  }
0x5f: {  	_ =	shalt  }
0x60: {  	_ =	shalt  }
0x61: {  	_ =	shalt  }
0x62: {  	_ =	shalt  }
0x63: {  	_ =	shalt  }
0x64: {  	_ =	shalt  }
0x65: {  	_ =	shalt  }
0x66: {  	_ =	shalt  }
0x67: {  	_ =	shalt  }
0x68: {  	_ =	shalt  }
0x69: {  	_ =	shalt  }
0x6a: {  	_ =	shalt  }
0x6b: {  	_ =	shalt  }
0x6c: {  	_ =	shalt  }
0x6d: {  	_ =	shalt  }
0x6e: {  	_ =	shalt  }
0x6f: {  	_ =	shalt  }
0x70: {  	_ =	shalt  }
0x71: {  	_ =	shalt  }
0x72: {  	_ =	shalt  }
0x73: {  	_ =	shalt  }
0x74: {  	_ =	shalt  }
0x75: {  	_ =	shalt  }
0x76: {  	_ =	shalt  }
0x77: {  	_ =	shalt  }
0x78: {  	_ =	shalt  }
0x79: {  	_ =	shalt  }
0x7a: {  	_ =	shalt  }
0x7b: {  	_ =	shalt  }
0x7c: {  	_ =	shalt  }
0x7d: {  	_ =	shalt  }
0x7e: {  	_ =	shalt  }
0x7f: {  	_ =	shalt  }
0x80: {  	_ =	shalt  }
0x81: {  	_ =	shalt  }
0x82: {  	_ =	shalt  }
0x83: {  	_ =	shalt  }
0x84: {  	_ =	shalt  }
0x85: {  	_ =	shalt  }
0x86: {  	_ =	shalt  }
0x87: {  	_ =	shalt  }
.Lfunc_end0:
.L_simem_size_0:
called_computation_lowered:
.L_overlay_start_0:
0x88: {  	s2 =	sld [smem:$0x3FD9]  }
0x89: {  	s3 =	sld [smem:$0x3FFE];
	_ =	sdelay $0x1  }
0x8a: {  	s1 =	srdreg.scid  }
0x8b: {  	s0 =	sand.u32 $0x1, s1  }
0x8c: {  	s17 =	sshll.u32 s0, $0xA;
	s2 =	sadd.s32 s3, s2  }
0x8d: {  	s2 =	sadd.s32 s2, s17  }
0x8e: {  	[smem:$0x3FBF] =	sst s2  }
0x8f: {  	_ = 	snop  }
0x90: {  	s2 =	sld [smem:$0x3FC9];
	(tm) =	ssettm $0x1  }
0x91: {  	s18 =	sld [smem:$0x3FFB];
	_ =	sdelay $0x3  }
0x92: {  	_ =	strace s18  }
0x93: {  	s3 =	sld [smem:$0x3FFC];
	_ =	sdelay $0x3  }
0x94: {  	_ =	strace s3  }
0x95: {  	s3 =	sld [smem:$0x3FFD];
	_ =	sdelay $0x3  }
0x96: {  	_ =	strace s3  }
0x97: {  	_ =	strace $0x8FFFFFFF  }
0x98: {  	s19 =	sld [smem:$0x3FDB];
	_ =	sdelay $0x1  }
0x99: {  	s4 =	simm.s32 $_scs_section_size  }
0x9a: {  	s5 =	simm.s32 $_size__tile_overlayer_lowered;
	s6 =	simm.s32 $_tile_overlayer_lowered  }
0x9b: {  	s22 =	simm.s32 $0x1BFF;
	s21 =	sshll.u32 s6, $0x1;
	s3 =	sadd.s32 s4, s19  }
0x9c: {  	s7 =	simm.s32 $0x0;
	s20 =	sshll.u32 s5, $0x1;
	s5 =	sadd.s32 s21, s3  }
0x9d: {  	[timem:s7], [sflag:s22] =	dma.local [hbm:s5], s20  }
0x9e: {  	_ =	swait.ge [sflag:s22], s20  }
0x9f: {  	s4 =	ssub.s32 $0x0, s20;
	[sflag:s22] =	ssyncset.done $0x0  }
0xa0: {  	[sflag:s22] =	ssyncadd.s32 s4;
	_ =	sdelay $0x1  }
0xa1: {  	s23 =	simm.s32 $0x1B8B  }
0xa2: {  	_ =	swait.ge [sflag:s23], $0x1  }
0xa3: {  	[sflag:s23] =	ssyncset.done $0x0  }
0xa4: {  	s25 =	simm.s32 $0x1B8E;
	s24 =	sld [smem:$0x3FFE];
	[sflag:s23] =	ssyncadd.s32 $0xFFFFFFFF  }
0xa5: {  	s26 =	simm.s32 $execute0_lowered;
	[smem:$0x3FD2] =	sst s25  }
0xa6: {  	s5 =	sshll.u32 s26, $0x1;
	_ =	strace $0x80000046;
	[dreg:$0x1] =	wrdreg $0xFFFFFFFF  }
0xa7: {  	s28 =	simm.s32 $_size_execute0_lowered;
	s3 =	sadd.s32 s3, s5;
	[dreg:$0x0] =	wrdreg $0x0  }
0xa8: {  	s5 =	sshll.u32 s28, $0x1;
	[dreg:$0x2] =	wrdreg s3  }
0xa9: {  	[dreg:$0x3] =	wrdreg s5  }
0xaa: {  	[dreg:$0x4] =	wrdreg $0xC0  }
0xab: {  	_ =	task [dreg:s7], $0x5FFFF  }
0xac: {  	[dreg:$0x1] =	wrdreg $0xFFFFFFFF  }
0xad: {  	[dreg:$0x0] =	wrdreg $0x60  }
0xae: {  	[dreg:$0x2] =	wrdreg s2  }
0xaf: {  	[dreg:$0x3] =	wrdreg s24  }
0xb0: {  	[dreg:$0x4] =	wrdreg $0x9  }
0xb1: {  	_ =	task.clear_ibuf [dreg:s7], $0x5FFFF;
	_ =	strace $0x90000046  }
0xb2: {  	s29 =	simm.s32 $0x9;
	_ =	strace $0x80000048  }
0xb3: {  	_ =	swait.ge [sflag:s29], $0x1  }
0xb4: {  	[sflag:s29] =	ssyncadd.s32 $0xFFFFFFFF  }
0xb5: {  	_ =	strace $0x90000048  }
0xb6: {  	_ =	sfence  }
0xb7: {  	s30 =	sld [smem:$0x0];
	_ =	sdelay $0x2  }
0xb8: {  	s31 =	sshll.u32 s1, $0xD;
	s1 =	sshrl.u32 s1, $0x2  }
0xb9: {  	s3 =	sand.u32 $0x4000, s31;
	s1 =	sadd.s32 s1, s30  }
0xba: {  	s0 =	sor.u32 s3, s0;
	s1 =	sshll.u32 s1, $0x11  }
0xbb: {  	s0 =	sor.u32 s1, s0  }
0xbc: {  	s0 =	sadd.s32 $0x8F2B, s0  }
0xbd: {  	[sflag:s0] =	ssyncadd.remote.s32 $0x1  }
0xbe: {  	_ =	sfence.sel $0xFFFF  }
0xbf: {  	[dreg:$0x0] =	wrdreg $0xFFFFFFFF;
	(pc) =	sbr.abs _section_cstart, $3  }
0xc0: {  	[dreg:$0x1] =	wrdreg $0xFFFFFFFF  }
0xc1: {  	_ =	task.clear_ibuf [dreg:s7], $0x2FFFF;
	_ =	strace $0x9FFFFFFF  }
0xc2: {  	(tm) =	ssettm $0x7FFFFFFF  }
0xc3: {  	_ =	shalt  }
tec
execute0_lowered:
.L_overlay_start_1:
0x0: {  	(tag) =	ssettag $0x1  }
0x1: {  	s1 =	rddreg [dreg:$0x0]  }
0x2: {  	s0 =	rddreg [dreg:$0x1]  }
0x3: {  	s2 =	simm.s32 $0x0;
	s3 =	srdreg.scid;
	s7 =	stileid.u32  }
0x4: {  	s13 =	simm.s32 $0x1900;
	s14 =	simm.s32 $0x2100;
	s16 =	simm.s32 $0x3900  }
0x5: {  	s17 =	simm.s32 $0x4100;
	s18 =	simm.s32 $0x4900;
	s19 =	simm.s32 $0x5100  }
0x6: {  	s20 =	simm.s32 $0x5900;
	s21 =	simm.s32 $0x6100;
	s22 =	simm.s32 $0x6900  }
0x7: {  	s23 =	simm.s32 $0x7100;
	s24 =	simm.s32 $0x7900;
	s25 =	simm.s32 $0x8100  }
0x8: {  	s26 =	simm.s32 $0x8900;
	s15 =	simm.s32 $0x9100;
	s28 =	simm.s32 $0x9900  }
0x9: {  	[smem:$0x7FF] =	sst s2;
	s30 =	sadd.s32 $0x1600, s0;
	s3 =	sand.u32 $0x1, s3  }
0xa: {  	s5 =	sadd.s32 $0x1800, s0;
	s7 =	sshll.u32 s7, $0x8;
	s8 =	sadd.s32 $0x200, s1  }
0xb: {  	s9 =	sadd.s32 $0x300, s1;
	s10 =	sadd.s32 $0x1900, s0;
	s4 =	ssub.s32 $0x2, s3  }
0xc: {  	s11 =	sadd.s32 $0x1A00, s0;
	s12 =	sadd.s32 $0x1B00, s0;
	s6 =	sshrl.u32 s4, $0x1  }
0xd: {  	v0 =	vlaneseq.u32;
	_ =	strace $0x80000047;
	s3 =	sshll.u32 s3, $0x7;
	s4 =	ssub.s32 s4, s6  }
0xe: {  	vm0 =	vmmov $0xffff;
	v2 =	vshrl.u32 v0, $0x3;
	s31 =	sor.u32 s3, s7;
	s7 =	sadd.s32 $0x100, s1;
	s29 =	smax.u32 s4, $0x1  }
0xf: {  	v1 =	vand.u32 $0x7, v0;
	v3 =	vor.u32 $0x8, v0;
	v2 =	vmul.u32 $0x8, v2;
	s3 =	simm.s32 $0x0;
	s4 =	simm.s32 $0x2;
	[dreg:$0x3] =	wrdreg s29  }
.LBB2_1:
0x10: {  	[dreg:$0x4] =	wrdreg s3;
	p0 =	por $0x1, $0x1;
	s29 =	simm.s32 $0x0  }
.LBB2_2:
0x11: {  	s29 =	sor.u32 s31, s29  }
0x12: {  	s0 =	smov.u32 s31;
	s31 =	smov.u32 s30;
	v4 =	vor.u32 s29, v0;
	s30 =	sor.u32 $0x10, s29  }
0x13: {  	v4 =	vshrl.u32 v4, $0x1;
	v5 =	vor.u32 s30, v0;
	s30 =	sor.u32 $0x20, s29  }
0x14: {  	[tilespmem:$0x0] =	vst v4;
	v4 =	vshrl.u32 v5, $0x1;
	v5 =	vor.u32 s30, v0;
	s30 =	sor.u32 $0x30, s29  }
0x15: {  	v6 =	vor.u32 s30, v0;
	[tilespmem:$0x10] =	vst v4;
	v4 =	vshrl.u32 v5, $0x1  }
0x16: {  	s29 =	sshrl.u32 s29, $0x3;
	s30 =	smov.u32 s31;
	[tilespmem:$0x20] =	vst v4;
	v4 =	vshrl.u32 v6, $0x1  }
0x17: {  	s3 =	simm.s32 $0x80;
	s29 =	sadd.s32 s30, s29;
	[tilespmem:$0x30] =	vst v4  }
0x18: {  	[tilespmem:s3], [sflag:$0x2] =	stream.linear.gather [hbm4b:s29+s2], $0x40, $0x38;
	[tilespmem:$0x10100] =	vst v63  }
0x19: {  	_ =	swait.ge [sflag:s4], $0x40  }
0x1a: {  	[sflag:s4] =	ssyncset.done $0x0  }
0x1b: {  	[sflag:s4] =	ssyncadd.s32 $0xFFFFFFC0  }
0x1c: {  	v4 =	vld [tilespmem:$0x0];
	_ =	sdelay $0x4  }
0x1d: {  	v5 =	vshll.u32 v4, $0x3  }
0x1e: {  	v4 =	vand.u32 $0x7, v4;
	v5 =	vand.u32 $0xFFFFFFC0, v5  }
0x1f: {  	v4 =	vor.u32 v4, v5  }
0x20: {  	v5 =	vperm.xlane v4, v1;
	_ =	sdelay $0x1  }
0x21: {  	v5 =	vadd.s32 v2, v5;
	_ =	sdelay $0x3  }
0x22: {  	s4 =	simm.s32 $0x100  }
0x23: {  	[tilespmem:s4], [sflag:$0x1] =	stream.indirect_vreg.gather [hbm4b:s1+s2], $0x80, v5, vm0, $0xb8;
	[tilespmem:$0x10100] =	vst v63  }
0x24: {  	s29 =	simm.s32 $0x900;
	v4 =	vperm.xlane v4, v3  }
0x25: {  	[tilespmem:s29], [sflag:$0x1] =	stream.indirect_vreg.gather [hbm4b:s7+s2], $0x80, v5, vm0, $0xb8;
	[tilespmem:$0x10100] =	vst v63  }
0x26: {  	s6 =	simm.s32 $0x1100;
	v4 =	vadd.s32 v2, v4  }
0x27: {  	[tilespmem:s6], [sflag:$0x1] =	stream.indirect_vreg.gather [hbm4b:s8+s2], $0x80, v5, vm0, $0xb8;
	[tilespmem:$0x10100] =	vst v63  }
0x28: {  	_ = 	snop  }
0x29: {  	[tilespmem:s13], [sflag:$0x1] =	stream.indirect_vreg.gather [hbm4b:s9+s2], $0x80, v5, vm0, $0xb8;
	[tilespmem:$0x10100] =	vst v63  }
0x2a: {  	_ = 	snop  }
0x2b: {  	[tilespmem:s14], [sflag:$0x1] =	stream.indirect_vreg.gather [hbm4b:s1+s2], $0x80, v4, vm0, $0xb8;
	[tilespmem:$0x10100] =	vst v63  }
0x2c: {  	s4 =	simm.s32 $0x2900  }
0x2d: {  	[tilespmem:s4], [sflag:$0x1] =	stream.indirect_vreg.gather [hbm4b:s7+s2], $0x80, v4, vm0, $0xb8;
	[tilespmem:$0x10100] =	vst v63  }
0x2e: {  	s6 =	simm.s32 $0x3100  }
0x2f: {  	[tilespmem:s6], [sflag:$0x1] =	stream.indirect_vreg.gather [hbm4b:s8+s2], $0x80, v4, vm0, $0xb8;
	[tilespmem:$0x10100] =	vst v63  }
0x30: {  	_ = 	snop  }
0x31: {  	[tilespmem:s16], [sflag:$0x1] =	stream.indirect_vreg.gather [hbm4b:s9+s2], $0x80, v4, vm0, $0xb8;
	[tilespmem:$0x10100] =	vst v63  }
0x32: {  	v4 =	vld [tilespmem:$0x10];
	_ =	sdelay $0x4  }
0x33: {  	v5 =	vshll.u32 v4, $0x3  }
0x34: {  	v4 =	vand.u32 $0x7, v4;
	v5 =	vand.u32 $0xFFFFFFC0, v5  }
0x35: {  	v4 =	vor.u32 v4, v5  }
0x36: {  	v5 =	vperm.xlane v4, v1;
	_ =	sdelay $0x1  }
0x37: {  	v5 =	vadd.s32 v2, v5;
	_ =	sdelay $0x4  }
0x38: {  	[tilespmem:s17], [sflag:$0x1] =	stream.indirect_vreg.gather [hbm4b:s1+s2], $0x80, v5, vm0, $0xb8;
	[tilespmem:$0x10100] =	vst v63  }
0x39: {  	v4 =	vperm.xlane v4, v3  }
0x3a: {  	[tilespmem:s18], [sflag:$0x1] =	stream.indirect_vreg.gather [hbm4b:s7+s2], $0x80, v5, vm0, $0xb8;
	[tilespmem:$0x10100] =	vst v63  }
0x3b: {  	v4 =	vadd.s32 v2, v4  }
0x3c: {  	[tilespmem:s19], [sflag:$0x1] =	stream.indirect_vreg.gather [hbm4b:s8+s2], $0x80, v5, vm0, $0xb8;
	[tilespmem:$0x10100] =	vst v63  }
0x3d: {  	_ = 	snop  }
0x3e: {  	[tilespmem:s20], [sflag:$0x1] =	stream.indirect_vreg.gather [hbm4b:s9+s2], $0x80, v5, vm0, $0xb8;
	[tilespmem:$0x10100] =	vst v63  }
0x3f: {  	_ = 	snop  }
0x40: {  	[tilespmem:s21], [sflag:$0x1] =	stream.indirect_vreg.gather [hbm4b:s1+s2], $0x80, v4, vm0, $0xb8;
	[tilespmem:$0x10100] =	vst v63  }
0x41: {  	_ = 	snop  }
0x42: {  	[tilespmem:s22], [sflag:$0x1] =	stream.indirect_vreg.gather [hbm4b:s7+s2], $0x80, v4, vm0, $0xb8;
	[tilespmem:$0x10100] =	vst v63  }
0x43: {  	_ = 	snop  }
0x44: {  	[tilespmem:s23], [sflag:$0x1] =	stream.indirect_vreg.gather [hbm4b:s8+s2], $0x80, v4, vm0, $0xb8;
	[tilespmem:$0x10100] =	vst v63  }
0x45: {  	_ = 	snop  }
0x46: {  	[tilespmem:s24], [sflag:$0x1] =	stream.indirect_vreg.gather [hbm4b:s9+s2], $0x80, v4, vm0, $0xb8;
	[tilespmem:$0x10100] =	vst v63  }
0x47: {  	v4 =	vld [tilespmem:$0x20];
	_ =	sdelay $0x4  }
0x48: {  	v5 =	vshll.u32 v4, $0x3  }
0x49: {  	v4 =	vand.u32 $0x7, v4;
	v5 =	vand.u32 $0xFFFFFFC0, v5  }
0x4a: {  	v4 =	vor.u32 v4, v5  }
0x4b: {  	v5 =	vperm.xlane v4, v1;
	_ =	sdelay $0x1  }
0x4c: {  	v5 =	vadd.s32 v2, v5;
	_ =	sdelay $0x4  }
0x4d: {  	[tilespmem:s25], [sflag:$0x1] =	stream.indirect_vreg.gather [hbm4b:s1+s2], $0x80, v5, vm0, $0xb8;
	[tilespmem:$0x10100] =	vst v63  }
0x4e: {  	v4 =	vperm.xlane v4, v3  }
0x4f: {  	[tilespmem:s26], [sflag:$0x1] =	stream.indirect_vreg.gather [hbm4b:s7+s2], $0x80, v5, vm0, $0xb8;
	[tilespmem:$0x10100] =	vst v63  }
0x50: {  	v4 =	vadd.s32 v2, v4  }
0x51: {  	[tilespmem:s15], [sflag:$0x1] =	stream.indirect_vreg.gather [hbm4b:s8+s2], $0x80, v5, vm0, $0xb8;
	[tilespmem:$0x10100] =	vst v63  }
0x52: {  	_ = 	snop  }
0x53: {  	[tilespmem:s28], [sflag:$0x1] =	stream.indirect_vreg.gather [hbm4b:s9+s2], $0x80, v5, vm0, $0xb8;
	[tilespmem:$0x10100] =	vst v63  }
0x54: {  	s3 =	simm.s32 $0xA100  }
0x55: {  	[tilespmem:s3], [sflag:$0x1] =	stream.indirect_vreg.gather [hbm4b:s1+s2], $0x80, v4, vm0, $0xb8;
	[tilespmem:$0x10100] =	vst v63  }
0x56: {  	s3 =	simm.s32 $0xA900  }
0x57: {  	[tilespmem:s3], [sflag:$0x1] =	stream.indirect_vreg.gather [hbm4b:s7+s2], $0x80, v4, vm0, $0xb8;
	[tilespmem:$0x10100] =	vst v63  }
0x58: {  	s3 =	simm.s32 $0xB100  }
0x59: {  	[tilespmem:s3], [sflag:$0x1] =	stream.indirect_vreg.gather [hbm4b:s8+s2], $0x80, v4, vm0, $0xb8;
	[tilespmem:$0x10100] =	vst v63  }
0x5a: {  	s3 =	simm.s32 $0xB900  }
0x5b: {  	[tilespmem:s3], [sflag:$0x1] =	stream.indirect_vreg.gather [hbm4b:s9+s2], $0x80, v4, vm0, $0xb8;
	[tilespmem:$0x10100] =	vst v63  }
0x5c: {  	v4 =	vld [tilespmem:$0x30];
	_ =	sdelay $0x4  }
0x5d: {  	v5 =	vshll.u32 v4, $0x3  }
0x5e: {  	v4 =	vand.u32 $0x7, v4;
	v5 =	vand.u32 $0xFFFFFFC0, v5  }
0x5f: {  	v4 =	vor.u32 v4, v5  }
0x60: {  	v5 =	vperm.xlane v4, v1;
	_ =	sdelay $0x1  }
0x61: {  	v5 =	vadd.s32 v2, v5;
	_ =	sdelay $0x3  }
0x62: {  	s3 =	simm.s32 $0xC100  }
0x63: {  	[tilespmem:s3], [sflag:$0x1] =	stream.indirect_vreg.gather [hbm4b:s1+s2], $0x80, v5, vm0, $0xb8;
	[tilespmem:$0x10100] =	vst v63  }
0x64: {  	v4 =	vperm.xlane v4, v3;
	s3 =	simm.s32 $0xC900  }
0x65: {  	[tilespmem:s3], [sflag:$0x1] =	stream.indirect_vreg.gather [hbm4b:s7+s2], $0x80, v5, vm0, $0xb8;
	[tilespmem:$0x10100] =	vst v63  }
0x66: {  	v4 =	vadd.s32 v2, v4;
	s3 =	simm.s32 $0xD100  }
0x67: {  	[tilespmem:s3], [sflag:$0x1] =	stream.indirect_vreg.gather [hbm4b:s8+s2], $0x80, v5, vm0, $0xb8;
	[tilespmem:$0x10100] =	vst v63  }
0x68: {  	s3 =	simm.s32 $0xD900  }
0x69: {  	[tilespmem:s3], [sflag:$0x1] =	stream.indirect_vreg.gather [hbm4b:s9+s2], $0x80, v5, vm0, $0xb8;
	[tilespmem:$0x10100] =	vst v63  }
0x6a: {  	s3 =	simm.s32 $0xE100  }
0x6b: {  	[tilespmem:s3], [sflag:$0x1] =	stream.indirect_vreg.gather [hbm4b:s1+s2], $0x80, v4, vm0, $0xb8;
	[tilespmem:$0x10100] =	vst v63  }
0x6c: {  	s3 =	simm.s32 $0xE900  }
0x6d: {  	[tilespmem:s3], [sflag:$0x1] =	stream.indirect_vreg.gather [hbm4b:s7+s2], $0x80, v4, vm0, $0xb8;
	[tilespmem:$0x10100] =	vst v63  }
0x6e: {  	s3 =	simm.s32 $0xF100  }
0x6f: {  	[tilespmem:s3], [sflag:$0x1] =	stream.indirect_vreg.gather [hbm4b:s8+s2], $0x80, v4, vm0, $0xb8;
	[tilespmem:$0x10100] =	vst v63  }
0x70: {  	s31 =	smov.u32 s0;
	s0 =	simm.s32 $0x1;
	s3 =	simm.s32 $0xF900  }
0x71: {  	[tilespmem:s3], [sflag:$0x1] =	stream.indirect_vreg.gather [hbm4b:s9+s2], $0x80, v4, vm0, $0xb8;
	[tilespmem:$0x10100] =	vst v63  }
0x72: {  	_ =	swait.ge [sflag:s0], $0x10000  }
0x73: {  	[sflag:s0] =	ssyncset.done $0x0  }
0x74: {  	[sflag:s0] =	ssyncadd.s32 $0xFFFF0000  }
0x75: {  	v4 =	vld [tilespmem:$0x80];
	_ =	sdelay $0x4  }
0x76: {  	v5 =	vshll.u32 v4, $0x3  }
0x77: {  	v4 =	vand.u32 $0x7, v4;
	v5 =	vand.u32 $0xFFFFFFC0, v5  }
0x78: {  	v4 =	vor.u32 v4, v5  }
0x79: {  	v5 =	vperm.xlane v4, v1;
	_ =	sdelay $0x1  }
0x7a: {  	v5 =	vadd.s32 v2, v5;
	_ =	sdelay $0x3  }
0x7b: {  	s0 =	simm.s32 $0x100  }
0x7c: {  	[hbm4b:s5+s2] =	stream.indirect_vreg.scatter [tilespmem:s0], [sflag:$0x1], $0x80, v5, vm0, $0xb8;
	[tilespmem:$0x10100] =	vst v63  }
0x7d: {  	v4 =	vperm.xlane v4, v3  }
0x7e: {  	[hbm4b:s10+s2] =	stream.indirect_vreg.scatter [tilespmem:s29], [sflag:$0x1], $0x80, v5, vm0, $0xb8;
	[tilespmem:$0x10100] =	vst v63  }
0x7f: {  	v4 =	vadd.s32 v2, v4;
	s0 =	simm.s32 $0x1100  }
0x80: {  	[hbm4b:s11+s2] =	stream.indirect_vreg.scatter [tilespmem:s0], [sflag:$0x1], $0x80, v5, vm0, $0xb8;
	[tilespmem:$0x10100] =	vst v63  }
0x81: {  	_ = 	snop  }
0x82: {  	[hbm4b:s12+s2] =	stream.indirect_vreg.scatter [tilespmem:s13], [sflag:$0x1], $0x80, v5, vm0, $0xb8;
	[tilespmem:$0x10100] =	vst v63  }
0x83: {  	_ = 	snop  }
0x84: {  	[hbm4b:s5+s2] =	stream.indirect_vreg.scatter [tilespmem:s14], [sflag:$0x1], $0x80, v4, vm0, $0xb8;
	[tilespmem:$0x10100] =	vst v63  }
0x85: {  	_ = 	snop  }
0x86: {  	[hbm4b:s10+s2] =	stream.indirect_vreg.scatter [tilespmem:s4], [sflag:$0x1], $0x80, v4, vm0, $0xb8;
	[tilespmem:$0x10100] =	vst v63  }
0x87: {  	_ = 	snop  }
0x88: {  	[hbm4b:s11+s2] =	stream.indirect_vreg.scatter [tilespmem:s6], [sflag:$0x1], $0x80, v4, vm0, $0xb8;
	[tilespmem:$0x10100] =	vst v63  }
0x89: {  	_ = 	snop  }
0x8a: {  	[hbm4b:s12+s2] =	stream.indirect_vreg.scatter [tilespmem:s16], [sflag:$0x1], $0x80, v4, vm0, $0xb8;
	[tilespmem:$0x10100] =	vst v63  }
0x8b: {  	v4 =	vld [tilespmem:$0x90];
	_ =	sdelay $0x4  }
0x8c: {  	v5 =	vshll.u32 v4, $0x3  }
0x8d: {  	v4 =	vand.u32 $0x7, v4;
	v5 =	vand.u32 $0xFFFFFFC0, v5  }
0x8e: {  	v4 =	vor.u32 v4, v5  }
0x8f: {  	v5 =	vperm.xlane v4, v1;
	_ =	sdelay $0x1  }
0x90: {  	v5 =	vadd.s32 v2, v5;
	_ =	sdelay $0x4  }
0x91: {  	[hbm4b:s5+s2] =	stream.indirect_vreg.scatter [tilespmem:s17], [sflag:$0x1], $0x80, v5, vm0, $0xb8;
	[tilespmem:$0x10100] =	vst v63  }
0x92: {  	v4 =	vperm.xlane v4, v3  }
0x93: {  	[hbm4b:s10+s2] =	stream.indirect_vreg.scatter [tilespmem:s18], [sflag:$0x1], $0x80, v5, vm0, $0xb8;
	[tilespmem:$0x10100] =	vst v63  }
0x94: {  	v4 =	vadd.s32 v2, v4  }
0x95: {  	[hbm4b:s11+s2] =	stream.indirect_vreg.scatter [tilespmem:s19], [sflag:$0x1], $0x80, v5, vm0, $0xb8;
	[tilespmem:$0x10100] =	vst v63  }
0x96: {  	_ = 	snop  }
0x97: {  	[hbm4b:s12+s2] =	stream.indirect_vreg.scatter [tilespmem:s20], [sflag:$0x1], $0x80, v5, vm0, $0xb8;
	[tilespmem:$0x10100] =	vst v63  }
0x98: {  	_ = 	snop  }
0x99: {  	[hbm4b:s5+s2] =	stream.indirect_vreg.scatter [tilespmem:s21], [sflag:$0x1], $0x80, v4, vm0, $0xb8;
	[tilespmem:$0x10100] =	vst v63  }
0x9a: {  	_ = 	snop  }
0x9b: {  	[hbm4b:s10+s2] =	stream.indirect_vreg.scatter [tilespmem:s22], [sflag:$0x1], $0x80, v4, vm0, $0xb8;
	[tilespmem:$0x10100] =	vst v63  }
0x9c: {  	_ = 	snop  }
0x9d: {  	[hbm4b:s11+s2] =	stream.indirect_vreg.scatter [tilespmem:s23], [sflag:$0x1], $0x80, v4, vm0, $0xb8;
	[tilespmem:$0x10100] =	vst v63  }
0x9e: {  	_ = 	snop  }
0x9f: {  	[hbm4b:s12+s2] =	stream.indirect_vreg.scatter [tilespmem:s24], [sflag:$0x1], $0x80, v4, vm0, $0xb8;
	[tilespmem:$0x10100] =	vst v63  }
0xa0: {  	v4 =	vld [tilespmem:$0xA0];
	_ =	sdelay $0x4  }
0xa1: {  	v5 =	vshll.u32 v4, $0x3  }
0xa2: {  	v4 =	vand.u32 $0x7, v4;
	v5 =	vand.u32 $0xFFFFFFC0, v5  }
0xa3: {  	v4 =	vor.u32 v4, v5  }
0xa4: {  	v5 =	vperm.xlane v4, v1;
	_ =	sdelay $0x1  }
0xa5: {  	v5 =	vadd.s32 v2, v5;
	_ =	sdelay $0x4  }
0xa6: {  	[hbm4b:s5+s2] =	stream.indirect_vreg.scatter [tilespmem:s25], [sflag:$0x1], $0x80, v5, vm0, $0xb8;
	[tilespmem:$0x10100] =	vst v63  }
0xa7: {  	v4 =	vperm.xlane v4, v3  }
0xa8: {  	[hbm4b:s10+s2] =	stream.indirect_vreg.scatter [tilespmem:s26], [sflag:$0x1], $0x80, v5, vm0, $0xb8;
	[tilespmem:$0x10100] =	vst v63  }
0xa9: {  	v4 =	vadd.s32 v2, v4  }
0xaa: {  	[hbm4b:s11+s2] =	stream.indirect_vreg.scatter [tilespmem:s15], [sflag:$0x1], $0x80, v5, vm0, $0xb8;
	[tilespmem:$0x10100] =	vst v63  }
0xab: {  	_ = 	snop  }
0xac: {  	[hbm4b:s12+s2] =	stream.indirect_vreg.scatter [tilespmem:s28], [sflag:$0x1], $0x80, v5, vm0, $0xb8;
	[tilespmem:$0x10100] =	vst v63  }
0xad: {  	s6 =	simm.s32 $0xA100  }
0xae: {  	[hbm4b:s5+s2] =	stream.indirect_vreg.scatter [tilespmem:s6], [sflag:$0x1], $0x80, v4, vm0, $0xb8;
	[tilespmem:$0x10100] =	vst v63  }
0xaf: {  	s6 =	simm.s32 $0xA900  }
0xb0: {  	[hbm4b:s10+s2] =	stream.indirect_vreg.scatter [tilespmem:s6], [sflag:$0x1], $0x80, v4, vm0, $0xb8;
	[tilespmem:$0x10100] =	vst v63  }
0xb1: {  	s6 =	simm.s32 $0xB100  }
0xb2: {  	[hbm4b:s11+s2] =	stream.indirect_vreg.scatter [tilespmem:s6], [sflag:$0x1], $0x80, v4, vm0, $0xb8;
	[tilespmem:$0x10100] =	vst v63  }
0xb3: {  	s6 =	simm.s32 $0xB900  }
0xb4: {  	[hbm4b:s12+s2] =	stream.indirect_vreg.scatter [tilespmem:s6], [sflag:$0x1], $0x80, v4, vm0, $0xb8;
	[tilespmem:$0x10100] =	vst v63  }
0xb5: {  	v4 =	vld [tilespmem:$0xB0];
	_ =	sdelay $0x4  }
0xb6: {  	v5 =	vshll.u32 v4, $0x3  }
0xb7: {  	v4 =	vand.u32 $0x7, v4;
	v5 =	vand.u32 $0xFFFFFFC0, v5  }
0xb8: {  	v4 =	vor.u32 v4, v5  }
0xb9: {  	v5 =	vperm.xlane v4, v1;
	_ =	sdelay $0x1  }
0xba: {  	v5 =	vadd.s32 v2, v5;
	_ =	sdelay $0x3  }
0xbb: {  	s6 =	simm.s32 $0xC100  }
0xbc: {  	[hbm4b:s5+s2] =	stream.indirect_vreg.scatter [tilespmem:s6], [sflag:$0x1], $0x80, v5, vm0, $0xb8;
	[tilespmem:$0x10100] =	vst v63  }
0xbd: {  	v4 =	vperm.xlane v4, v3;
	s6 =	simm.s32 $0xC900  }
0xbe: {  	[hbm4b:s10+s2] =	stream.indirect_vreg.scatter [tilespmem:s6], [sflag:$0x1], $0x80, v5, vm0, $0xb8;
	[tilespmem:$0x10100] =	vst v63  }
0xbf: {  	v4 =	vadd.s32 v2, v4;
	s6 =	simm.s32 $0xD100  }
0xc0: {  	[hbm4b:s11+s2] =	stream.indirect_vreg.scatter [tilespmem:s6], [sflag:$0x1], $0x80, v5, vm0, $0xb8;
	[tilespmem:$0x10100] =	vst v63  }
0xc1: {  	s6 =	simm.s32 $0xD900  }
0xc2: {  	[hbm4b:s12+s2] =	stream.indirect_vreg.scatter [tilespmem:s6], [sflag:$0x1], $0x80, v5, vm0, $0xb8;
	[tilespmem:$0x10100] =	vst v63  }
0xc3: {  	s6 =	simm.s32 $0xE100  }
0xc4: {  	[hbm4b:s5+s2] =	stream.indirect_vreg.scatter [tilespmem:s6], [sflag:$0x1], $0x80, v4, vm0, $0xb8;
	[tilespmem:$0x10100] =	vst v63  }
0xc5: {  	s6 =	simm.s32 $0xE900  }
0xc6: {  	[hbm4b:s10+s2] =	stream.indirect_vreg.scatter [tilespmem:s6], [sflag:$0x1], $0x80, v4, vm0, $0xb8;
	[tilespmem:$0x10100] =	vst v63  }
0xc7: {  	p1 =	por p0, p0;
	s6 =	simm.s32 $0xF100  }
0xc8: {  	[hbm4b:s11+s2] =	stream.indirect_vreg.scatter [tilespmem:s6], [sflag:$0x1], $0x80, v4, vm0, $0xb8;
	[tilespmem:$0x10100] =	vst v63  }
.Ltmp0:
0xc9: {  	s0 =	simm.s32 $0x1;
	(pc) =	sbr.rel @p1 .LBB2_2-.Ltmp0, $4  }
0xca: {  	[hbm4b:s12+s2] =	stream.indirect_vreg.scatter [tilespmem:s3], [sflag:$0x1], $0x80, v4, vm0, $0xb8;
	[tilespmem:$0x10100] =	vst v63  }
0xcb: {  	_ =	swait.ge [sflag:s0], $0x10000  }
0xcc: {  	p0 =	por $0x0, $0x0;
	[sflag:s0] =	ssyncset.done $0x0  }
0xcd: {  	s29 =	simm.s32 $0x40;
	s4 =	simm.s32 $0x2;
	[sflag:s0] =	ssyncadd.s32 $0xFFFF0000  }
0xce: {  	s3 =	rddreg [dreg:$0x4]  }
0xcf: {  	s0 =	rddreg [dreg:$0x3];
	s3 =	sadd.s32 $0x1, s3  }
0xd0: {  	p0 =	sne.s32 s3, s0  }
.Ltmp1:
0xd1: {  	_ = 	snop;
	(pc) =	sbr.rel @p0 .LBB2_1-.Ltmp1, $1  }
0xd2: {  	_ =	sdelay $0x3  }
0xd3: {  	_ =	sfence.sel $0x180000  }
0xd4: {  	[bflag:$0x0] =	sbarrier.arrive $0xFFFF  }
0xd5: {  	_ =	strace $0x90000047  }
0xd6: {  	s0 =	stileid.u32;
	[bflag:$0x2] =	sbarrier.arrive $0xFFFF  }
0xd7: {  	p0 =	sne.s32 s0, $0x0;
	s0 =	rddreg [dreg:$0x2]  }
0xd8: {  	s0 =	sadd.s32 @!p0 $0x100000, s0  }
0xd9: {  	[sflag:s0] =	ssyncadd.tile.s32 @!p0 $0x1;
	_ =	shalt  }
.Lfunc_end2:
_tile_overlayer_lowered:
.L_overlay_start_2:
0xda: {  	(tag) =	ssettag $0x2  }
0xdb: {  	s0 =	rddreg [dreg:$0x0];
	s2 =	stileid.u32  }
0xdc: {  	s1 =	rddreg [dreg:$0x1];
	p0 =	sne.s32 s2, $0x0  }
0xdd: {  	s3 =	rddreg [dreg:$0x2];
	[bflag:$0x3] =	sbarrier.arrive $0xFFFF;
	s2 =	simm.s32 @!p0 $0x1C02  }
0xde: {  	[timem:s3], [sflag:s2] =	dma.local @!p0 [hbm:s0], s1  }
0xdf: {  	s0 =	simm.s32 @!p0 $0x2  }
0xe0: {  	_ =	swait.ge @!p0 [sflag:s0], s1  }
0xe1: {  	s1 =	ssub.s32 @!p0 $0x0, s1;
	[sflag:s0] =	ssyncset.done @!p0 $0x0  }
0xe2: {  	[sflag:s0] =	ssyncadd.s32 @!p0 s1  }
0xe3: {  	[bflag:$0x3] =	sbarrier.arrive $0xFFFF  }
0xe4: {  	_ =	shalt  }

</sc_bundles>
